<compile_context>
chip_gen: v7x
topology: tpu7x:2x2x1
jax: 0.10.2.dev20260603
libtpu: 0.0.44.dev20260713+nightly
codegen_flags: <defaults>
</compile_context>

<pallas_src>
import jax
import jax.numpy as jnp
from jax import lax
from jax.experimental import pallas as pl
from jax.experimental.pallas import tpu as pltpu
from jax.experimental.pallas import tpu_sc as plsc

_E = 8
_K = 2
_D = 1024
_T = 2048
_S = _T * _K

_NC = 2
_NS = 16
_NW = _NC * _NS
_TPW = _T // _NW
_SPW = _S // _NW

_TM = 512
_NT = _S // _TM
_NL = _NT + _E - 1


def _wid():
    return lax.axis_index("s") * _NC + lax.axis_index("c")


def _dispatch_body(hs_hbm, pe_hbm, po_hbm, xs_hbm, idx_e, idx_o, xin,
                   s_e, s_o, s_x):
    w = _wid()
    base_t = w * _TPW
    ce = pltpu.async_copy(pe_hbm.at[pl.ds(base_t, _TPW)], idx_e, s_e)
    co = pltpu.async_copy(po_hbm.at[pl.ds(base_t, _TPW)], idx_o, s_o)
    cx = pltpu.async_copy(hs_hbm.at[pl.ds(base_t, _TPW)], xin, s_x)
    ce.wait()
    cx.wait()
    c1 = pltpu.async_copy(xin, xs_hbm.at[idx_e], s_e)
    co.wait()
    c2 = pltpu.async_copy(xin, xs_hbm.at[idx_o], s_o)
    c1.wait()
    c2.wait()


def _dispatch_sc(hs, pe, po):
    mesh = plsc.VectorSubcoreMesh(
        core_axis_name="c", subcore_axis_name="s",
        num_cores=_NC, num_subcores=_NS)
    f = pl.kernel(
        _dispatch_body,
        out_type=jax.ShapeDtypeStruct((_S, _D), jnp.float32),
        mesh=mesh,
        scratch_types=(
            pltpu.VMEM((_TPW,), jnp.int32),
            pltpu.VMEM((_TPW,), jnp.int32),
            pltpu.VMEM((_TPW, _D), jnp.float32),
            pltpu.SemaphoreType.DMA,
            pltpu.SemaphoreType.DMA,
            pltpu.SemaphoreType.DMA,
        ),
    )
    return f(hs, pe, po)


_CC = 16
_NCH = _TPW // _CC


def _combine_body(y_hbm, pe_hbm, po_hbm, fin_hbm,
                  ies, ios, bufs_e, bufs_o, s_i, s_e, s_o, s_w):
    w = _wid()
    base_t = w * _TPW

    for c in range(_NCH):
        pltpu.async_copy(pe_hbm.at[pl.ds(base_t + c * _CC, _CC)], ies[c], s_i)
        pltpu.async_copy(po_hbm.at[pl.ds(base_t + c * _CC, _CC)], ios[c], s_i)
    for c in range(_NCH):
        pltpu.make_async_copy(pe_hbm.at[pl.ds(base_t, _CC)], ies[c], s_i).wait()
        pltpu.make_async_copy(po_hbm.at[pl.ds(base_t, _CC)], ios[c], s_i).wait()

    ge = [None] * _NCH
    go = [None] * _NCH
    gw = [None] * _NCH
    ge[0] = pltpu.async_copy(y_hbm.at[ies[0]], bufs_e[0], s_e[0])
    go[0] = pltpu.async_copy(y_hbm.at[ios[0]], bufs_o[0], s_o[0])
    for c in range(_NCH):
        nxt = c + 1
        if nxt < _NCH:
            b = nxt % 2
            if nxt >= 2:
                gw[nxt - 2].wait()
            ge[nxt] = pltpu.async_copy(y_hbm.at[ies[nxt]], bufs_e[b], s_e[b])
            go[nxt] = pltpu.async_copy(y_hbm.at[ios[nxt]], bufs_o[b], s_o[b])
        ge[c].wait()
        go[c].wait()
        be, bo = bufs_e[c % 2], bufs_o[c % 2]

        def row_add(r, _):
            def col_add(q, _):
                for u in range(8):
                    o = q * 128 + u * 16
                    plsc.addupdate(be.at[r, pl.ds(o, 16)],
                                   bo[r, pl.ds(o, 16)])
                return 0
            lax.fori_loop(0, _D // 128, col_add, 0)
            return 0

        lax.fori_loop(0, _CC, row_add, 0)
        gw[c] = pltpu.async_copy(
            be, fin_hbm.at[pl.ds(base_t + c * _CC, _CC)], s_w[c % 2])
    gw[_NCH - 2].wait()
    gw[_NCH - 1].wait()


def _combine_sc(y, pe, po):
    mesh = plsc.VectorSubcoreMesh(
        core_axis_name="c", subcore_axis_name="s",
        num_cores=_NC, num_subcores=_NS)
    f = pl.kernel(
        _combine_body,
        out_type=jax.ShapeDtypeStruct((_T, _D), jnp.float32),
        mesh=mesh,
        scratch_types=(
            tuple(pltpu.VMEM((_CC,), jnp.int32) for _ in range(_NCH)),
            tuple(pltpu.VMEM((_CC,), jnp.int32) for _ in range(_NCH)),
            tuple(pltpu.VMEM((_CC, _D), jnp.float32) for _ in range(2)),
            tuple(pltpu.VMEM((_CC, _D), jnp.float32) for _ in range(2)),
            pltpu.SemaphoreType.DMA,
            tuple(pltpu.SemaphoreType.DMA for _ in range(2)),
            tuple(pltpu.SemaphoreType.DMA for _ in range(2)),
            tuple(pltpu.SemaphoreType.DMA for _ in range(2)),
        ),
    )
    return f(y, pe, po)


def _gmm_body(mt, wi, rs, re, fi, x_ref, w_ref, ws_ref, o_ref):
    i = pl.program_id(0)
    xb = x_ref[...].astype(jnp.bfloat16)
    part = lax.dot_general(
        xb, w_ref[...], (((1,), (1,)), ((), ())),
        preferred_element_type=jnp.float32)
    rows = mt[i] * _TM + lax.broadcasted_iota(jnp.int32, (_TM, 1), 0)
    msk = (rows >= rs[i]) & (rows < re[i])
    val = jnp.where(msk, part * ws_ref[...], 0.0)

    @pl.when(fi[i] == 1)
    def _init():
        o_ref[...] = val

    @pl.when(fi[i] == 0)
    def _acc():
        o_ref[...] += val


def _grouped_matmul(xs, w_bf, ws2, mt, wi, rs, re, fi):
    grid_spec = pltpu.PrefetchScalarGridSpec(
        num_scalar_prefetch=5,
        grid=(_NL,),
        in_specs=[
            pl.BlockSpec((_TM, _D), lambda i, mt, wi, rs, re, fi: (mt[i], 0)),
            pl.BlockSpec((None, _D, _D),
                         lambda i, mt, wi, rs, re, fi: (wi[i], 0, 0)),
            pl.BlockSpec((_TM, 1), lambda i, mt, wi, rs, re, fi: (mt[i], 0)),
        ],
        out_specs=pl.BlockSpec((_TM, _D),
                               lambda i, mt, wi, rs, re, fi: (mt[i], 0)),
    )
    return pl.pallas_call(
        _gmm_body,
        grid_spec=grid_spec,
        out_shape=jax.ShapeDtypeStruct((_S, _D), jnp.float32),
    )(mt, wi, rs, re, fi, xs, w_bf, ws2)


def kernel(hidden_states, gate_w, expert_w):
    B, Sq, D = hidden_states.shape
    hs = hidden_states.reshape(-1, D)

    router_logits = hs @ gate_w.T
    probs = jax.nn.softmax(router_logits.astype(jnp.float32), axis=1)
    m1 = jnp.max(probs, axis=1)
    e1 = jnp.argmax(probs, axis=1).astype(jnp.int32)
    probs2 = jnp.where(jnp.arange(_E)[None, :] == e1[:, None], -jnp.inf, probs)
    m2 = jnp.max(probs2, axis=1)
    e2 = jnp.argmax(probs2, axis=1).astype(jnp.int32)
    denom = m1 + m2
    rw = jnp.stack([m1 / denom, m2 / denom], axis=1)
    sel = jnp.stack([e1, e2], axis=1)

    slot_e = sel.reshape(-1)
    onehot = (slot_e[:, None] == jnp.arange(_E)[None, :]).astype(jnp.float32)
    _CH = 128
    nch = _S // _CH
    oh3 = onehot.reshape(nch, _CH, _E)
    tri = (jnp.arange(_CH)[:, None] >= jnp.arange(_CH)[None, :]).astype(
        jnp.float32)
    hp = lax.Precision.HIGHEST
    csum_in = jnp.einsum("ij,cje->cie", tri, oh3)
    chunk_tot = csum_in[:, -1, :]
    tri_s = (jnp.arange(nch)[:, None] > jnp.arange(nch)[None, :]).astype(
        jnp.float32)
    chunk_base = jnp.matmul(tri_s, chunk_tot)
    csum = (csum_in + chunk_base[:, None, :]).reshape(_S, _E)
    counts = chunk_base[-1] + chunk_tot[-1]
    tri_e = (jnp.arange(_E)[:, None] > jnp.arange(_E)[None, :]).astype(
        jnp.float32)
    offs_x = jnp.matmul(tri_e, counts, precision=hp)
    rank = jnp.sum(onehot * csum, axis=1) - 1.0
    base = jnp.sum(onehot * offs_x[None, :], axis=1)
    pos = (base + rank).astype(jnp.int32)
    offs = jnp.concatenate(
        [offs_x, (offs_x[-1] + counts[-1])[None]]).astype(jnp.int32)

    starts, ends = offs[:_E], offs[1:]
    m_ids = jnp.arange(_NT, dtype=jnp.int32)
    lo = jnp.maximum(starts[None, :], (m_ids * _TM)[:, None])
    hi = jnp.minimum(ends[None, :], ((m_ids + 1) * _TM)[:, None])
    valid = (lo < hi).reshape(-1)
    order = jnp.cumsum(valid.astype(jnp.int32)) - 1
    sel_mat = ((order[None, :] == jnp.arange(_NL)[:, None]) &
               valid[None, :]).astype(jnp.float32)
    m_flat = jnp.broadcast_to(m_ids[:, None], (_NT, _E)).reshape(-1)
    e_flat = jnp.broadcast_to(jnp.arange(_E, dtype=jnp.int32)[None, :],
                              (_NT, _E)).reshape(-1)
    any_row = jnp.sum(sel_mat, axis=1)
    mt = (jnp.matmul(sel_mat, m_flat.astype(jnp.float32), precision=hp)
          + (1.0 - any_row) * (_NT - 1)).astype(jnp.int32)
    wi = jnp.matmul(sel_mat, e_flat.astype(jnp.float32),
                    precision=hp).astype(jnp.int32)
    rs = jnp.matmul(sel_mat, lo.reshape(-1).astype(jnp.float32),
                    precision=hp).astype(jnp.int32)
    re = jnp.matmul(sel_mat, hi.reshape(-1).astype(jnp.float32),
                    precision=hp).astype(jnp.int32)
    fi = jnp.concatenate([jnp.ones((1,), jnp.int32),
                          (mt[1:] != mt[:-1]).astype(jnp.int32)])

    pos2 = pos.reshape(_T, _K)
    pe, po = pos2[:, 0], pos2[:, 1]
    ws = jnp.zeros((_S,), jnp.float32).at[pos].set(
        rw.reshape(-1).astype(jnp.float32))

    xs = _dispatch_sc(hs, pe, po)
    w_bf = expert_w.astype(jnp.bfloat16)
    y = _grouped_matmul(xs, w_bf, ws.reshape(_S, 1), mt, wi, rs, re, fi)
    fin = _combine_sc(y, pe, po)

    return fin.reshape(B, Sq, D), router_logits

# --- scband reference (transcript-rebuilt; emitter-appended) ---
"""Pipeline reference for scband-qwen3-moe-like-block-14894946583062 (READ-ONLY COPY).

The authoritative reference and input builder live on the scoring server;
editing this copy changes nothing except your own understanding.
"""

import jax, jax.numpy as jnp
import numpy as np

NUM_EXPERTS = 8
TOP_K = 2
HIDDEN = 1024
BATCH = 1
SEQ = 2048

def setup_inputs(seed: int = 0) -> dict:
    key = jax.random.key(seed)
    k1, k2, k3 = jax.random.split(key, 3)
    hidden_states = jax.random.normal(k1, (BATCH, SEQ, HIDDEN), dtype=jnp.float32)
    gate_w = jax.random.normal(k2, (NUM_EXPERTS, HIDDEN), dtype=jnp.float32) * 0.02
    expert_w = jax.random.normal(k3, (NUM_EXPERTS, HIDDEN, HIDDEN), dtype=jnp.float32) * 0.02
    return {"hidden_states": hidden_states, "gate_w": gate_w, "expert_w": expert_w}

def reference(hidden_states, gate_w, expert_w):
    B, S, D = hidden_states.shape
    hs = hidden_states.reshape(-1, D)
    # router
    router_logits = hs @ gate_w.T  # [T, E]
    routing_weights = jax.nn.softmax(router_logits.astype(jnp.float32), axis=1)
    rw, selected = jax.lax.top_k(routing_weights, TOP_K)  # [T, K]
    # norm_topk_prob=True
    rw = rw / jnp.sum(rw, axis=-1, keepdims=True)
    rw = rw.astype(hs.dtype)
    final = jnp.zeros((B * S, D), dtype=hs.dtype)
    for e in range(NUM_EXPERTS):
        # per-token weight for expert e (zero if not selected) -- same math as
        # the torch gather/index_add formulation, expressed densely
        w_e = jnp.sum(rw * (selected == e).astype(rw.dtype), axis=-1)  # [T]
        final = final + (hs @ expert_w[e].T) * w_e[:, None]
    final = final.reshape(B, S, D)
    return (final, router_logits)

if __name__ == "__main__":
    import jax
    _d = setup_inputs()
    print(jax.jit(kernel)(*tuple(_d.values())))

</pallas_src>

<mosaic_0001>
#map = affine_map<(d0, d1) -> (0, 0)>
#map1 = affine_map<(d0, d1) -> (0)>
module attributes {stable_mosaic.version = 14 : i64} {
  func.func @_dispatch_body(%arg0: i32, %arg1: i32, %arg2: memref<2048x1024xf32, #tpu.memory_space<hbm>>, %arg3: memref<2048xi32, #tpu.memory_space<hbm>>, %arg4: memref<2048xi32, #tpu.memory_space<hbm>>, %arg5: memref<4096x1024xf32, #tpu.memory_space<hbm>>, %arg6: memref<64xi32, #tpu.memory_space<vmem>>, %arg7: memref<64xi32, #tpu.memory_space<vmem>>, %arg8: memref<64x1024xf32, #tpu.memory_space<vmem>>, %arg9: memref<!tpu.dma_semaphore, #tpu.memory_space<semaphore_mem>>, %arg10: memref<!tpu.dma_semaphore, #tpu.memory_space<semaphore_mem>>, %arg11: memref<!tpu.dma_semaphore, #tpu.memory_space<semaphore_mem>>) attributes {dimension_semantics = [#tpu.dimension_semantics<core_parallel>, #tpu.dimension_semantics<subcore_parallel>], iteration_bounds = array<i64: 2, 16>, scalar_prefetch = 0 : i64, scratch_operands = 6 : i64, tpu.core_type = #tpu.core_type<sc_vector_subcore>, window_params = [{transform_indices = #map}, {transform_indices = #map1}, {transform_indices = #map1}, {transform_indices = #map}]} {
    %mul3A = arith.constant 2 : i32
    %mul3A_0 = arith.muli %arg1, %mul3A : i32
    %add3A = arith.addi %mul3A_0, %arg0 : i32
    %mul3A_1 = arith.constant 64 : i32
    %mul3A_2 = arith.muli %add3A, %mul3A_1 : i32
    %dma_start3A = tpu.memref_slice %arg3[%mul3A_2] : memref<2048xi32, #tpu.memory_space<hbm>> -> memref<64xi32, #tpu.memory_space<hbm>>
    %dma_start3A_3 = tpu.memref_slice %arg3[%mul3A_2] : memref<2048xi32, #tpu.memory_space<hbm>> -> memref<64xi32, #tpu.memory_space<hbm>>
    tpu.enqueue_dma source(%dma_start3A_3 : memref<64xi32, #tpu.memory_space<hbm>>) target(%arg6 : memref<64xi32, #tpu.memory_space<vmem>>) target_semaphore(%arg9 : memref<!tpu.dma_semaphore, #tpu.memory_space<semaphore_mem>>)
    %dma_start3A_4 = tpu.memref_slice %arg4[%mul3A_2] : memref<2048xi32, #tpu.memory_space<hbm>> -> memref<64xi32, #tpu.memory_space<hbm>>
    %dma_start3A_5 = tpu.memref_slice %arg4[%mul3A_2] : memref<2048xi32, #tpu.memory_space<hbm>> -> memref<64xi32, #tpu.memory_space<hbm>>
    tpu.enqueue_dma source(%dma_start3A_5 : memref<64xi32, #tpu.memory_space<hbm>>) target(%arg7 : memref<64xi32, #tpu.memory_space<vmem>>) target_semaphore(%arg10 : memref<!tpu.dma_semaphore, #tpu.memory_space<semaphore_mem>>)
    %dma_start3A_6 = arith.constant 0 : i32
    %dma_start3A_7 = tpu.memref_slice %arg2[%mul3A_2, %dma_start3A_6] : memref<2048x1024xf32, #tpu.memory_space<hbm>> -> memref<64x1024xf32, #tpu.memory_space<hbm>>
    %dma_start3A_8 = arith.constant 0 : i32
    %dma_start3A_9 = tpu.memref_slice %arg2[%mul3A_2, %dma_start3A_8] : memref<2048x1024xf32, #tpu.memory_space<hbm>> -> memref<64x1024xf32, #tpu.memory_space<hbm>>
    tpu.enqueue_dma source(%dma_start3A_9 : memref<64x1024xf32, #tpu.memory_space<hbm>>) target(%arg8 : memref<64x1024xf32, #tpu.memory_space<vmem>>) target_semaphore(%arg11 : memref<!tpu.dma_semaphore, #tpu.memory_space<semaphore_mem>>)
    %dma_wait3A = tpu.memref_slice %arg3[%mul3A_2] : memref<2048xi32, #tpu.memory_space<hbm>> -> memref<64xi32, #tpu.memory_space<hbm>>
    %dma_wait3A_10 = tpu.memref_slice %arg3[%mul3A_2] : memref<2048xi32, #tpu.memory_space<hbm>> -> memref<64xi32, #tpu.memory_space<hbm>>
    tpu.wait_dma2 semaphore(%arg9 : memref<!tpu.dma_semaphore, #tpu.memory_space<semaphore_mem>>) src(%dma_wait3A_10 : memref<64xi32, #tpu.memory_space<hbm>>) dst(%arg6 : memref<64xi32, #tpu.memory_space<vmem>>)
    %dma_wait3A_11 = arith.constant 0 : i32
    %dma_wait3A_12 = tpu.memref_slice %arg2[%mul3A_2, %dma_wait3A_11] : memref<2048x1024xf32, #tpu.memory_space<hbm>> -> memref<64x1024xf32, #tpu.memory_space<hbm>>
    %dma_wait3A_13 = arith.constant 0 : i32
    %dma_wait3A_14 = tpu.memref_slice %arg2[%mul3A_2, %dma_wait3A_13] : memref<2048x1024xf32, #tpu.memory_space<hbm>> -> memref<64x1024xf32, #tpu.memory_space<hbm>>
    tpu.wait_dma2 semaphore(%arg11 : memref<!tpu.dma_semaphore, #tpu.memory_space<semaphore_mem>>) src(%dma_wait3A_14 : memref<64x1024xf32, #tpu.memory_space<hbm>>) dst(%arg8 : memref<64x1024xf32, #tpu.memory_space<vmem>>)
    %dma_start3A_15 = arith.constant 0 : i32
    %dma_start3A_16 = arith.constant 0 : i32
    %dma_start3A_17 = tpu.memref_slice %arg5[%dma_start3A_15, %dma_start3A_16] : memref<4096x1024xf32, #tpu.memory_space<hbm>> -> memref<4096x1024xf32, #tpu.memory_space<hbm>>
    tpu.enqueue_indirect_dma source(%arg8 : memref<64x1024xf32, #tpu.memory_space<vmem>>) target(%dma_start3A_17 : memref<4096x1024xf32, #tpu.memory_space<hbm>>) offsets(%arg6 : memref<64xi32, #tpu.memory_space<vmem>>) semaphore(%arg9 : memref<!tpu.dma_semaphore, #tpu.memory_space<semaphore_mem>>)
    %dma_wait3A_18 = tpu.memref_slice %arg4[%mul3A_2] : memref<2048xi32, #tpu.memory_space<hbm>> -> memref<64xi32, #tpu.memory_space<hbm>>
    %dma_wait3A_19 = tpu.memref_slice %arg4[%mul3A_2] : memref<2048xi32, #tpu.memory_space<hbm>> -> memref<64xi32, #tpu.memory_space<hbm>>
    tpu.wait_dma2 semaphore(%arg10 : memref<!tpu.dma_semaphore, #tpu.memory_space<semaphore_mem>>) src(%dma_wait3A_19 : memref<64xi32, #tpu.memory_space<hbm>>) dst(%arg7 : memref<64xi32, #tpu.memory_space<vmem>>)
    %dma_start3A_20 = arith.constant 0 : i32
    %dma_start3A_21 = arith.constant 0 : i32
    %dma_start3A_22 = tpu.memref_slice %arg5[%dma_start3A_20, %dma_start3A_21] : memref<4096x1024xf32, #tpu.memory_space<hbm>> -> memref<4096x1024xf32, #tpu.memory_space<hbm>>
    tpu.enqueue_indirect_dma source(%arg8 : memref<64x1024xf32, #tpu.memory_space<vmem>>) target(%dma_start3A_22 : memref<4096x1024xf32, #tpu.memory_space<hbm>>) offsets(%arg7 : memref<64xi32, #tpu.memory_space<vmem>>) semaphore(%arg10 : memref<!tpu.dma_semaphore, #tpu.memory_space<semaphore_mem>>)
    %dma_wait3A_23 = arith.constant 0 : i32
    %dma_wait3A_24 = arith.constant 0 : i32
    %dma_wait3A_25 = tpu.memref_slice %arg5[%dma_wait3A_23, %dma_wait3A_24] : memref<4096x1024xf32, #tpu.memory_space<hbm>> -> memref<4096x1024xf32, #tpu.memory_space<hbm>>
    tpu.wait_indirect_dma semaphore(%arg9 : memref<!tpu.dma_semaphore, #tpu.memory_space<semaphore_mem>>) src(%arg8 : memref<64x1024xf32, #tpu.memory_space<vmem>>) dst(%dma_wait3A_25 : memref<4096x1024xf32, #tpu.memory_space<hbm>>)
    %dma_wait3A_26 = arith.constant 0 : i32
    %dma_wait3A_27 = arith.constant 0 : i32
    %dma_wait3A_28 = tpu.memref_slice %arg5[%dma_wait3A_26, %dma_wait3A_27] : memref<4096x1024xf32, #tpu.memory_space<hbm>> -> memref<4096x1024xf32, #tpu.memory_space<hbm>>
    tpu.wait_indirect_dma semaphore(%arg10 : memref<!tpu.dma_semaphore, #tpu.memory_space<semaphore_mem>>) src(%arg8 : memref<64x1024xf32, #tpu.memory_space<vmem>>) dst(%dma_wait3A_28 : memref<4096x1024xf32, #tpu.memory_space<hbm>>)
    return
  }
}

#map = affine_map<(d0, d1) -> (0, 0)>
#map1 = affine_map<(d0, d1) -> (0)>
module attributes {stable_mosaic.version = 14 : i64} {
  func.func @_combine_body(%arg0: i32, %arg1: i32, %arg2: memref<4096x1024xf32, #tpu.memory_space<hbm>>, %arg3: memref<2048xi32, #tpu.memory_space<hbm>>, %arg4: memref<2048xi32, #tpu.memory_space<hbm>>, %arg5: memref<2048x1024xf32, #tpu.memory_space<hbm>>, %arg6: memref<16xi32, #tpu.memory_space<vmem>>, %arg7: memref<16xi32, #tpu.memory_space<vmem>>, %arg8: memref<16xi32, #tpu.memory_space<vmem>>, %arg9: memref<16xi32, #tpu.memory_space<vmem>>, %arg10: memref<16xi32, #tpu.memory_space<vmem>>, %arg11: memref<16xi32, #tpu.memory_space<vmem>>, %arg12: memref<16xi32, #tpu.memory_space<vmem>>, %arg13: memref<16xi32, #tpu.memory_space<vmem>>, %arg14: memref<16x1024xf32, #tpu.memory_space<vmem>>, %arg15: memref<16x1024xf32, #tpu.memory_space<vmem>>, %arg16: memref<16x1024xf32, #tpu.memory_space<vmem>>, %arg17: memref<16x1024xf32, #tpu.memory_space<vmem>>, %arg18: memref<!tpu.dma_semaphore, #tpu.memory_space<semaphore_mem>>, %arg19: memref<!tpu.dma_semaphore, #tpu.memory_space<semaphore_mem>>, %arg20: memref<!tpu.dma_semaphore, #tpu.memory_space<semaphore_mem>>, %arg21: memref<!tpu.dma_semaphore, #tpu.memory_space<semaphore_mem>>, %arg22: memref<!tpu.dma_semaphore, #tpu.memory_space<semaphore_mem>>, %arg23: memref<!tpu.dma_semaphore, #tpu.memory_space<semaphore_mem>>, %arg24: memref<!tpu.dma_semaphore, #tpu.memory_space<semaphore_mem>>) attributes {dimension_semantics = [#tpu.dimension_semantics<core_parallel>, #tpu.dimension_semantics<subcore_parallel>], iteration_bounds = array<i64: 2, 16>, scalar_prefetch = 0 : i64, scratch_operands = 19 : i64, tpu.core_type = #tpu.core_type<sc_vector_subcore>, window_params = [{transform_indices = #map}, {transform_indices = #map1}, {transform_indices = #map1}, {transform_indices = #map}]} {
    %mul3A = arith.constant 2 : i32
    %mul3A_0 = arith.muli %arg1, %mul3A : i32
    %add3A = arith.addi %mul3A_0, %arg0 : i32
    %mul3A_1 = arith.constant 64 : i32
    %mul3A_2 = arith.muli %add3A, %mul3A_1 : i32
    %add3A_3 = arith.constant 0 : i32
    %add3A_4 = arith.addi %mul3A_2, %add3A_3 : i32
    %dma_start3A = tpu.memref_slice %arg3[%add3A_4] : memref<2048xi32, #tpu.memory_space<hbm>> -> memref<16xi32, #tpu.memory_space<hbm>>
    %dma_start3A_5 = tpu.memref_slice %arg3[%add3A_4] : memref<2048xi32, #tpu.memory_space<hbm>> -> memref<16xi32, #tpu.memory_space<hbm>>
    tpu.enqueue_dma source(%dma_start3A_5 : memref<16xi32, #tpu.memory_space<hbm>>) target(%arg6 : memref<16xi32, #tpu.memory_space<vmem>>) target_semaphore(%arg18 : memref<!tpu.dma_semaphore, #tpu.memory_space<semaphore_mem>>)
    %add3A_6 = arith.constant 0 : i32
    %add3A_7 = arith.addi %mul3A_2, %add3A_6 : i32
    %dma_start3A_8 = tpu.memref_slice %arg4[%add3A_7] : memref<2048xi32, #tpu.memory_space<hbm>> -> memref<16xi32, #tpu.memory_space<hbm>>
    %dma_start3A_9 = tpu.memref_slice %arg4[%add3A_7] : memref<2048xi32, #tpu.memory_space<hbm>> -> memref<16xi32, #tpu.memory_space<hbm>>
    tpu.enqueue_dma source(%dma_start3A_9 : memref<16xi32, #tpu.memory_space<hbm>>) target(%arg10 : memref<16xi32, #tpu.memory_space<vmem>>) target_semaphore(%arg18 : memref<!tpu.dma_semaphore, #tpu.memory_space<semaphore_mem>>)
    %add3A_10 = arith.constant 16 : i32
    %add3A_11 = arith.addi %mul3A_2, %add3A_10 : i32
    %dma_start3A_12 = tpu.memref_slice %arg3[%add3A_11] : memref<2048xi32, #tpu.memory_space<hbm>> -> memref<16xi32, #tpu.memory_space<hbm>>
    %dma_start3A_13 = tpu.memref_slice %arg3[%add3A_11] : memref<2048xi32, #tpu.memory_space<hbm>> -> memref<16xi32, #tpu.memory_space<hbm>>
    tpu.enqueue_dma source(%dma_start3A_13 : memref<16xi32, #tpu.memory_space<hbm>>) target(%arg7 : memref<16xi32, #tpu.memory_space<vmem>>) target_semaphore(%arg18 : memref<!tpu.dma_semaphore, #tpu.memory_space<semaphore_mem>>)
    %add3A_14 = arith.constant 16 : i32
    %add3A_15 = arith.addi %mul3A_2, %add3A_14 : i32
    %dma_start3A_16 = tpu.memref_slice %arg4[%add3A_15] : memref<2048xi32, #tpu.memory_space<hbm>> -> memref<16xi32, #tpu.memory_space<hbm>>
    %dma_start3A_17 = tpu.memref_slice %arg4[%add3A_15] : memref<2048xi32, #tpu.memory_space<hbm>> -> memref<16xi32, #tpu.memory_space<hbm>>
    tpu.enqueue_dma source(%dma_start3A_17 : memref<16xi32, #tpu.memory_space<hbm>>) target(%arg11 : memref<16xi32, #tpu.memory_space<vmem>>) target_semaphore(%arg18 : memref<!tpu.dma_semaphore, #tpu.memory_space<semaphore_mem>>)
    %add3A_18 = arith.constant 32 : i32
    %add3A_19 = arith.addi %mul3A_2, %add3A_18 : i32
    %dma_start3A_20 = tpu.memref_slice %arg3[%add3A_19] : memref<2048xi32, #tpu.memory_space<hbm>> -> memref<16xi32, #tpu.memory_space<hbm>>
    %dma_start3A_21 = tpu.memref_slice %arg3[%add3A_19] : memref<2048xi32, #tpu.memory_space<hbm>> -> memref<16xi32, #tpu.memory_space<hbm>>
    tpu.enqueue_dma source(%dma_start3A_21 : memref<16xi32, #tpu.memory_space<hbm>>) target(%arg8 : memref<16xi32, #tpu.memory_space<vmem>>) target_semaphore(%arg18 : memref<!tpu.dma_semaphore, #tpu.memory_space<semaphore_mem>>)
    %add3A_22 = arith.constant 32 : i32
    %add3A_23 = arith.addi %mul3A_2, %add3A_22 : i32
    %dma_start3A_24 = tpu.memref_slice %arg4[%add3A_23] : memref<2048xi32, #tpu.memory_space<hbm>> -> memref<16xi32, #tpu.memory_space<hbm>>
    %dma_start3A_25 = tpu.memref_slice %arg4[%add3A_23] : memref<2048xi32, #tpu.memory_space<hbm>> -> memref<16xi32, #tpu.memory_space<hbm>>
    tpu.enqueue_dma source(%dma_start3A_25 : memref<16xi32, #tpu.memory_space<hbm>>) target(%arg12 : memref<16xi32, #tpu.memory_space<vmem>>) target_semaphore(%arg18 : memref<!tpu.dma_semaphore, #tpu.memory_space<semaphore_mem>>)
    %add3A_26 = arith.constant 48 : i32
    %add3A_27 = arith.addi %mul3A_2, %add3A_26 : i32
    %dma_start3A_28 = tpu.memref_slice %arg3[%add3A_27] : memref<2048xi32, #tpu.memory_space<hbm>> -> memref<16xi32, #tpu.memory_space<hbm>>
    %dma_start3A_29 = tpu.memref_slice %arg3[%add3A_27] : memref<2048xi32, #tpu.memory_space<hbm>> -> memref<16xi32, #tpu.memory_space<hbm>>
    tpu.enqueue_dma source(%dma_start3A_29 : memref<16xi32, #tpu.memory_space<hbm>>) target(%arg9 : memref<16xi32, #tpu.memory_space<vmem>>) target_semaphore(%arg18 : memref<!tpu.dma_semaphore, #tpu.memory_space<semaphore_mem>>)
    %add3A_30 = arith.constant 48 : i32
    %add3A_31 = arith.addi %mul3A_2, %add3A_30 : i32
    %dma_start3A_32 = tpu.memref_slice %arg4[%add3A_31] : memref<2048xi32, #tpu.memory_space<hbm>> -> memref<16xi32, #tpu.memory_space<hbm>>
    %dma_start3A_33 = tpu.memref_slice %arg4[%add3A_31] : memref<2048xi32, #tpu.memory_space<hbm>> -> memref<16xi32, #tpu.memory_space<hbm>>
    tpu.enqueue_dma source(%dma_start3A_33 : memref<16xi32, #tpu.memory_space<hbm>>) target(%arg13 : memref<16xi32, #tpu.memory_space<vmem>>) target_semaphore(%arg18 : memref<!tpu.dma_semaphore, #tpu.memory_space<semaphore_mem>>)
    %dma_wait3A = tpu.memref_slice %arg3[%mul3A_2] : memref<2048xi32, #tpu.memory_space<hbm>> -> memref<16xi32, #tpu.memory_space<hbm>>
    %dma_wait3A_34 = tpu.memref_slice %arg3[%mul3A_2] : memref<2048xi32, #tpu.memory_space<hbm>> -> memref<16xi32, #tpu.memory_space<hbm>>
    tpu.wait_dma2 semaphore(%arg18 : memref<!tpu.dma_semaphore, #tpu.memory_space<semaphore_mem>>) src(%dma_wait3A_34 : memref<16xi32, #tpu.memory_space<hbm>>) dst(%arg6 : memref<16xi32, #tpu.memory_space<vmem>>)
    %dma_wait3A_35 = tpu.memref_slice %arg4[%mul3A_2] : memref<2048xi32, #tpu.memory_space<hbm>> -> memref<16xi32, #tpu.memory_space<hbm>>
    %dma_wait3A_36 = tpu.memref_slice %arg4[%mul3A_2] : memref<2048xi32, #tpu.memory_space<hbm>> -> memref<16xi32, #tpu.memory_space<hbm>>
    tpu.wait_dma2 semaphore(%arg18 : memref<!tpu.dma_semaphore, #tpu.memory_space<semaphore_mem>>) src(%dma_wait3A_36 : memref<16xi32, #tpu.memory_space<hbm>>) dst(%arg10 : memref<16xi32, #tpu.memory_space<vmem>>)
    %dma_wait3A_37 = tpu.memref_slice %arg3[%mul3A_2] : memref<2048xi32, #tpu.memory_space<hbm>> -> memref<16xi32, #tpu.memory_space<hbm>>
    %dma_wait3A_38 = tpu.memref_slice %arg3[%mul3A_2] : memref<2048xi32, #tpu.memory_space<hbm>> -> memref<16xi32, #tpu.memory_space<hbm>>
    tpu.wait_dma2 semaphore(%arg18 : memref<!tpu.dma_semaphore, #tpu.memory_space<semaphore_mem>>) src(%dma_wait3A_38 : memref<16xi32, #tpu.memory_space<hbm>>) dst(%arg7 : memref<16xi32, #tpu.memory_space<vmem>>)
    %dma_wait3A_39 = tpu.memref_slice %arg4[%mul3A_2] : memref<2048xi32, #tpu.memory_space<hbm>> -> memref<16xi32, #tpu.memory_space<hbm>>
    %dma_wait3A_40 = tpu.memref_slice %arg4[%mul3A_2] : memref<2048xi32, #tpu.memory_space<hbm>> -> memref<16xi32, #tpu.memory_space<hbm>>
    tpu.wait_dma2 semaphore(%arg18 : memref<!tpu.dma_semaphore, #tpu.memory_space<semaphore_mem>>) src(%dma_wait3A_40 : memref<16xi32, #tpu.memory_space<hbm>>) dst(%arg11 : memref<16xi32, #tpu.memory_space<vmem>>)
    %dma_wait3A_41 = tpu.memref_slice %arg3[%mul3A_2] : memref<2048xi32, #tpu.memory_space<hbm>> -> memref<16xi32, #tpu.memory_space<hbm>>
    %dma_wait3A_42 = tpu.memref_slice %arg3[%mul3A_2] : memref<2048xi32, #tpu.memory_space<hbm>> -> memref<16xi32, #tpu.memory_space<hbm>>
    tpu.wait_dma2 semaphore(%arg18 : memref<!tpu.dma_semaphore, #tpu.memory_space<semaphore_mem>>) src(%dma_wait3A_42 : memref<16xi32, #tpu.memory_space<hbm>>) dst(%arg8 : memref<16xi32, #tpu.memory_space<vmem>>)
    %dma_wait3A_43 = tpu.memref_slice %arg4[%mul3A_2] : memref<2048xi32, #tpu.memory_space<hbm>> -> memref<16xi32, #tpu.memory_space<hbm>>
    %dma_wait3A_44 = tpu.memref_slice %arg4[%mul3A_2] : memref<2048xi32, #tpu.memory_space<hbm>> -> memref<16xi32, #tpu.memory_space<hbm>>
    tpu.wait_dma2 semaphore(%arg18 : memref<!tpu.dma_semaphore, #tpu.memory_space<semaphore_mem>>) src(%dma_wait3A_44 : memref<16xi32, #tpu.memory_space<hbm>>) dst(%arg12 : memref<16xi32, #tpu.memory_space<vmem>>)
    %dma_wait3A_45 = tpu.memref_slice %arg3[%mul3A_2] : memref<2048xi32, #tpu.memory_space<hbm>> -> memref<16xi32, #tpu.memory_space<hbm>>
    %dma_wait3A_46 = tpu.memref_slice %arg3[%mul3A_2] : memref<2048xi32, #tpu.memory_space<hbm>> -> memref<16xi32, #tpu.memory_space<hbm>>
    tpu.wait_dma2 semaphore(%arg18 : memref<!tpu.dma_semaphore, #tpu.memory_space<semaphore_mem>>) src(%dma_wait3A_46 : memref<16xi32, #tpu.memory_space<hbm>>) dst(%arg9 : memref<16xi32, #tpu.memory_space<vmem>>)
    %dma_wait3A_47 = tpu.memref_slice %arg4[%mul3A_2] : memref<2048xi32, #tpu.memory_space<hbm>> -> memref<16xi32, #tpu.memory_space<hbm>>
    %dma_wait3A_48 = tpu.memref_slice %arg4[%mul3A_2] : memref<2048xi32, #tpu.memory_space<hbm>> -> memref<16xi32, #tpu.memory_space<hbm>>
    tpu.wait_dma2 semaphore(%arg18 : memref<!tpu.dma_semaphore, #tpu.memory_space<semaphore_mem>>) src(%dma_wait3A_48 : memref<16xi32, #tpu.memory_space<hbm>>) dst(%arg13 : memref<16xi32, #tpu.memory_space<vmem>>)
    %dma_start3A_49 = arith.constant 0 : i32
    %dma_start3A_50 = arith.constant 0 : i32
    %dma_start3A_51 = tpu.memref_slice %arg2[%dma_start3A_49, %dma_start3A_50] : memref<4096x1024xf32, #tpu.memory_space<hbm>> -> memref<4096x1024xf32, #tpu.memory_space<hbm>>
    tpu.enqueue_indirect_dma source(%dma_start3A_51 : memref<4096x1024xf32, #tpu.memory_space<hbm>>) target(%arg14 : memref<16x1024xf32, #tpu.memory_space<vmem>>) offsets(%arg6 : memref<16xi32, #tpu.memory_space<vmem>>) semaphore(%arg19 : memref<!tpu.dma_semaphore, #tpu.memory_space<semaphore_mem>>)
    %dma_start3A_52 = arith.constant 0 : i32
    %dma_start3A_53 = arith.constant 0 : i32
    %dma_start3A_54 = tpu.memref_slice %arg2[%dma_start3A_52, %dma_start3A_53] : memref<4096x1024xf32, #tpu.memory_space<hbm>> -> memref<4096x1024xf32, #tpu.memory_space<hbm>>
    tpu.enqueue_indirect_dma source(%dma_start3A_54 : memref<4096x1024xf32, #tpu.memory_space<hbm>>) target(%arg16 : memref<16x1024xf32, #tpu.memory_space<vmem>>) offsets(%arg10 : memref<16xi32, #tpu.memory_space<vmem>>) semaphore(%arg21 : memref<!tpu.dma_semaphore, #tpu.memory_space<semaphore_mem>>)
    %dma_start3A_55 = arith.constant 0 : i32
    %dma_start3A_56 = arith.constant 0 : i32
    %dma_start3A_57 = tpu.memref_slice %arg2[%dma_start3A_55, %dma_start3A_56] : memref<4096x1024xf32, #tpu.memory_space<hbm>> -> memref<4096x1024xf32, #tpu.memory_space<hbm>>
    tpu.enqueue_indirect_dma source(%dma_start3A_57 : memref<4096x1024xf32, #tpu.memory_space<hbm>>) target(%arg15 : memref<16x1024xf32, #tpu.memory_space<vmem>>) offsets(%arg7 : memref<16xi32, #tpu.memory_space<vmem>>) semaphore(%arg20 : memref<!tpu.dma_semaphore, #tpu.memory_space<semaphore_mem>>)
    %dma_start3A_58 = arith.constant 0 : i32
    %dma_start3A_59 = arith.constant 0 : i32
    %dma_start3A_60 = tpu.memref_slice %arg2[%dma_start3A_58, %dma_start3A_59] : memref<4096x1024xf32, #tpu.memory_space<hbm>> -> memref<4096x1024xf32, #tpu.memory_space<hbm>>
    tpu.enqueue_indirect_dma source(%dma_start3A_60 : memref<4096x1024xf32, #tpu.memory_space<hbm>>) target(%arg17 : memref<16x1024xf32, #tpu.memory_space<vmem>>) offsets(%arg11 : memref<16xi32, #tpu.memory_space<vmem>>) semaphore(%arg22 : memref<!tpu.dma_semaphore, #tpu.memory_space<semaphore_mem>>)
    %dma_wait3A_61 = arith.constant 0 : i32
    %dma_wait3A_62 = arith.constant 0 : i32
    %dma_wait3A_63 = tpu.memref_slice %arg2[%dma_wait3A_61, %dma_wait3A_62] : memref<4096x1024xf32, #tpu.memory_space<hbm>> -> memref<4096x1024xf32, #tpu.memory_space<hbm>>
    tpu.wait_indirect_dma semaphore(%arg19 : memref<!tpu.dma_semaphore, #tpu.memory_space<semaphore_mem>>) src(%dma_wait3A_63 : memref<4096x1024xf32, #tpu.memory_space<hbm>>) dst(%arg14 : memref<16x1024xf32, #tpu.memory_space<vmem>>)
    %dma_wait3A_64 = arith.constant 0 : i32
    %dma_wait3A_65 = arith.constant 0 : i32
    %dma_wait3A_66 = tpu.memref_slice %arg2[%dma_wait3A_64, %dma_wait3A_65] : memref<4096x1024xf32, #tpu.memory_space<hbm>> -> memref<4096x1024xf32, #tpu.memory_space<hbm>>
    tpu.wait_indirect_dma semaphore(%arg21 : memref<!tpu.dma_semaphore, #tpu.memory_space<semaphore_mem>>) src(%dma_wait3A_66 : memref<4096x1024xf32, #tpu.memory_space<hbm>>) dst(%arg16 : memref<16x1024xf32, #tpu.memory_space<vmem>>)
    %scan3A = arith.constant 0 : i32
    %scan3A_67 = arith.constant 0 : i32
    %scan3A_68 = arith.constant 16 : i32
    %scan3A_69 = arith.addi %scan3A_67, %scan3A_68 : i32
    %scan3A_70 = arith.constant 1 : i32
    %scan3A_71 = scf.for %scan3A_164 = %scan3A_67 to %scan3A_69 step %scan3A_70 iter_args(%scan3A_165 = %scan3A) -> (i32)  : i32 {
      %scan3A_166 = arith.constant 0 : i32
      %scan3A_167 = arith.constant 0 : i32
      %scan3A_168 = arith.constant 8 : i32
      %scan3A_169 = arith.addi %scan3A_167, %scan3A_168 : i32
      %scan3A_170 = arith.constant 1 : i32
      %scan3A_171 = scf.for %scan3A_174 = %scan3A_167 to %scan3A_169 step %scan3A_170 iter_args(%scan3A_175 = %scan3A_166) -> (i32)  : i32 {
        %mul3A_176 = arith.constant 128 : i32
        %mul3A_177 = arith.muli %scan3A_174, %mul3A_176 : i32
        %add3A_178 = arith.constant 0 : i32
        %add3A_179 = arith.addi %mul3A_177, %add3A_178 : i32
        %get3A = arith.index_cast %scan3A_164 : i32 to index
        %get3A_180 = arith.index_cast %add3A_179 : i32 to index
        %get3A_181 = tpu.vector_load %arg16[%get3A, %get3A_180] {strides = array<i32>} : memref<16x1024xf32, #tpu.memory_space<vmem>>, vector<1x16xf32>,
        %get3A_182 = vector.shape_cast %get3A_181 : vector<1x16xf32> to vector<16xf32>
        %swap3A = arith.index_cast %scan3A_164 : i32 to index
        %swap3A_183 = arith.index_cast %add3A_179 : i32 to index
        %swap3A_184 = tpu.vector_load %arg14[%swap3A, %swap3A_183] {strides = array<i32>} : memref<16x1024xf32, #tpu.memory_space<vmem>>, vector<1x16xf32>,
        %swap3A_185 = vector.shape_cast %swap3A_184 : vector<1x16xf32> to vector<16xf32>
        %swap3A_186 = vector.shape_cast %get3A_182 : vector<16xf32> to vector<1x16xf32>
        tpu.vector_store %arg14[%swap3A, %swap3A_183], %swap3A_186 {add = true, strides = array<i32>} : memref<16x1024xf32, #tpu.memory_space<vmem>>, vector<1x16xf32>,
        %mul3A_187 = arith.constant 128 : i32
        %mul3A_188 = arith.muli %scan3A_174, %mul3A_187 : i32
        %add3A_189 = arith.constant 16 : i32
        %add3A_190 = arith.addi %mul3A_188, %add3A_189 : i32
        %get3A_191 = arith.index_cast %scan3A_164 : i32 to index
        %get3A_192 = arith.index_cast %add3A_190 : i32 to index
        %get3A_193 = tpu.vector_load %arg16[%get3A_191, %get3A_192] {strides = array<i32>} : memref<16x1024xf32, #tpu.memory_space<vmem>>, vector<1x16xf32>,
        %get3A_194 = vector.shape_cast %get3A_193 : vector<1x16xf32> to vector<16xf32>
        %swap3A_195 = arith.index_cast %scan3A_164 : i32 to index
        %swap3A_196 = arith.index_cast %add3A_190 : i32 to index
        %swap3A_197 = tpu.vector_load %arg14[%swap3A_195, %swap3A_196] {strides = array<i32>} : memref<16x1024xf32, #tpu.memory_space<vmem>>, vector<1x16xf32>,
        %swap3A_198 = vector.shape_cast %swap3A_197 : vector<1x16xf32> to vector<16xf32>
        %swap3A_199 = vector.shape_cast %get3A_194 : vector<16xf32> to vector<1x16xf32>
        tpu.vector_store %arg14[%swap3A_195, %swap3A_196], %swap3A_199 {add = true, strides = array<i32>} : memref<16x1024xf32, #tpu.memory_space<vmem>>, vector<1x16xf32>,
        %mul3A_200 = arith.constant 128 : i32
        %mul3A_201 = arith.muli %scan3A_174, %mul3A_200 : i32
        %add3A_202 = arith.constant 32 : i32
        %add3A_203 = arith.addi %mul3A_201, %add3A_202 : i32
        %get3A_204 = arith.index_cast %scan3A_164 : i32 to index
        %get3A_205 = arith.index_cast %add3A_203 : i32 to index
        %get3A_206 = tpu.vector_load %arg16[%get3A_204, %get3A_205] {strides = array<i32>} : memref<16x1024xf32, #tpu.memory_space<vmem>>, vector<1x16xf32>,
        %get3A_207 = vector.shape_cast %get3A_206 : vector<1x16xf32> to vector<16xf32>
        %swap3A_208 = arith.index_cast %scan3A_164 : i32 to index
        %swap3A_209 = arith.index_cast %add3A_203 : i32 to index
        %swap3A_210 = tpu.vector_load %arg14[%swap3A_208, %swap3A_209] {strides = array<i32>} : memref<16x1024xf32, #tpu.memory_space<vmem>>, vector<1x16xf32>,
        %swap3A_211 = vector.shape_cast %swap3A_210 : vector<1x16xf32> to vector<16xf32>
        %swap3A_212 = vector.shape_cast %get3A_207 : vector<16xf32> to vector<1x16xf32>
        tpu.vector_store %arg14[%swap3A_208, %swap3A_209], %swap3A_212 {add = true, strides = array<i32>} : memref<16x1024xf32, #tpu.memory_space<vmem>>, vector<1x16xf32>,
        %mul3A_213 = arith.constant 128 : i32
        %mul3A_214 = arith.muli %scan3A_174, %mul3A_213 : i32
        %add3A_215 = arith.constant 48 : i32
        %add3A_216 = arith.addi %mul3A_214, %add3A_215 : i32
        %get3A_217 = arith.index_cast %scan3A_164 : i32 to index
        %get3A_218 = arith.index_cast %add3A_216 : i32 to index
        %get3A_219 = tpu.vector_load %arg16[%get3A_217, %get3A_218] {strides = array<i32>} : memref<16x1024xf32, #tpu.memory_space<vmem>>, vector<1x16xf32>,
        %get3A_220 = vector.shape_cast %get3A_219 : vector<1x16xf32> to vector<16xf32>
        %swap3A_221 = arith.index_cast %scan3A_164 : i32 to index
        %swap3A_222 = arith.index_cast %add3A_216 : i32 to index
        %swap3A_223 = tpu.vector_load %arg14[%swap3A_221, %swap3A_222] {strides = array<i32>} : memref<16x1024xf32, #tpu.memory_space<vmem>>, vector<1x16xf32>,
        %swap3A_224 = vector.shape_cast %swap3A_223 : vector<1x16xf32> to vector<16xf32>
        %swap3A_225 = vector.shape_cast %get3A_220 : vector<16xf32> to vector<1x16xf32>
        tpu.vector_store %arg14[%swap3A_221, %swap3A_222], %swap3A_225 {add = true, strides = array<i32>} : memref<16x1024xf32, #tpu.memory_space<vmem>>, vector<1x16xf32>,
        %mul3A_226 = arith.constant 128 : i32
        %mul3A_227 = arith.muli %scan3A_174, %mul3A_226 : i32
        %add3A_228 = arith.constant 64 : i32
        %add3A_229 = arith.addi %mul3A_227, %add3A_228 : i32
        %get3A_230 = arith.index_cast %scan3A_164 : i32 to index
        %get3A_231 = arith.index_cast %add3A_229 : i32 to index
        %get3A_232 = tpu.vector_load %arg16[%get3A_230, %get3A_231] {strides = array<i32>} : memref<16x1024xf32, #tpu.memory_space<vmem>>, vector<1x16xf32>,
        %get3A_233 = vector.shape_cast %get3A_232 : vector<1x16xf32> to vector<16xf32>
        %swap3A_234 = arith.index_cast %scan3A_164 : i32 to index
        %swap3A_235 = arith.index_cast %add3A_229 : i32 to index
        %swap3A_236 = tpu.vector_load %arg14[%swap3A_234, %swap3A_235] {strides = array<i32>} : memref<16x1024xf32, #tpu.memory_space<vmem>>, vector<1x16xf32>,
        %swap3A_237 = vector.shape_cast %swap3A_236 : vector<1x16xf32> to vector<16xf32>
        %swap3A_238 = vector.shape_cast %get3A_233 : vector<16xf32> to vector<1x16xf32>
        tpu.vector_store %arg14[%swap3A_234, %swap3A_235], %swap3A_238 {add = true, strides = array<i32>} : memref<16x1024xf32, #tpu.memory_space<vmem>>, vector<1x16xf32>,
        %mul3A_239 = arith.constant 128 : i32
        %mul3A_240 = arith.muli %scan3A_174, %mul3A_239 : i32
        %add3A_241 = arith.constant 80 : i32
        %add3A_242 = arith.addi %mul3A_240, %add3A_241 : i32
        %get3A_243 = arith.index_cast %scan3A_164 : i32 to index
        %get3A_244 = arith.index_cast %add3A_242 : i32 to index
        %get3A_245 = tpu.vector_load %arg16[%get3A_243, %get3A_244] {strides = array<i32>} : memref<16x1024xf32, #tpu.memory_space<vmem>>, vector<1x16xf32>,
        %get3A_246 = vector.shape_cast %get3A_245 : vector<1x16xf32> to vector<16xf32>
        %swap3A_247 = arith.index_cast %scan3A_164 : i32 to index
        %swap3A_248 = arith.index_cast %add3A_242 : i32 to index
        %swap3A_249 = tpu.vector_load %arg14[%swap3A_247, %swap3A_248] {strides = array<i32>} : memref<16x1024xf32, #tpu.memory_space<vmem>>, vector<1x16xf32>,
        %swap3A_250 = vector.shape_cast %swap3A_249 : vector<1x16xf32> to vector<16xf32>
        %swap3A_251 = vector.shape_cast %get3A_246 : vector<16xf32> to vector<1x16xf32>
        tpu.vector_store %arg14[%swap3A_247, %swap3A_248], %swap3A_251 {add = true, strides = array<i32>} : memref<16x1024xf32, #tpu.memory_space<vmem>>, vector<1x16xf32>,
        %mul3A_252 = arith.constant 128 : i32
        %mul3A_253 = arith.muli %scan3A_174, %mul3A_252 : i32
        %add3A_254 = arith.constant 96 : i32
        %add3A_255 = arith.addi %mul3A_253, %add3A_254 : i32
        %get3A_256 = arith.index_cast %scan3A_164 : i32 to index
        %get3A_257 = arith.index_cast %add3A_255 : i32 to index
        %get3A_258 = tpu.vector_load %arg16[%get3A_256, %get3A_257] {strides = array<i32>} : memref<16x1024xf32, #tpu.memory_space<vmem>>, vector<1x16xf32>,
        %get3A_259 = vector.shape_cast %get3A_258 : vector<1x16xf32> to vector<16xf32>
        %swap3A_260 = arith.index_cast %scan3A_164 : i32 to index
        %swap3A_261 = arith.index_cast %add3A_255 : i32 to index
        %swap3A_262 = tpu.vector_load %arg14[%swap3A_260, %swap3A_261] {strides = array<i32>} : memref<16x1024xf32, #tpu.memory_space<vmem>>, vector<1x16xf32>,
        %swap3A_263 = vector.shape_cast %swap3A_262 : vector<1x16xf32> to vector<16xf32>
        %swap3A_264 = vector.shape_cast %get3A_259 : vector<16xf32> to vector<1x16xf32>
        tpu.vector_store %arg14[%swap3A_260, %swap3A_261], %swap3A_264 {add = true, strides = array<i32>} : memref<16x1024xf32, #tpu.memory_space<vmem>>, vector<1x16xf32>,
        %mul3A_265 = arith.constant 128 : i32
        %mul3A_266 = arith.muli %scan3A_174, %mul3A_265 : i32
        %add3A_267 = arith.constant 112 : i32
        %add3A_268 = arith.addi %mul3A_266, %add3A_267 : i32
        %get3A_269 = arith.index_cast %scan3A_164 : i32 to index
        %get3A_270 = arith.index_cast %add3A_268 : i32 to index
        %get3A_271 = tpu.vector_load %arg16[%get3A_269, %get3A_270] {strides = array<i32>} : memref<16x1024xf32, #tpu.memory_space<vmem>>, vector<1x16xf32>,
        %get3A_272 = vector.shape_cast %get3A_271 : vector<1x16xf32> to vector<16xf32>
        %swap3A_273 = arith.index_cast %scan3A_164 : i32 to index
        %swap3A_274 = arith.index_cast %add3A_268 : i32 to index
        %swap3A_275 = tpu.vector_load %arg14[%swap3A_273, %swap3A_274] {strides = array<i32>} : memref<16x1024xf32, #tpu.memory_space<vmem>>, vector<1x16xf32>,
        %swap3A_276 = vector.shape_cast %swap3A_275 : vector<1x16xf32> to vector<16xf32>
        %swap3A_277 = vector.shape_cast %get3A_272 : vector<16xf32> to vector<1x16xf32>
        tpu.vector_store %arg14[%swap3A_273, %swap3A_274], %swap3A_277 {add = true, strides = array<i32>} : memref<16x1024xf32, #tpu.memory_space<vmem>>, vector<1x16xf32>,
        %scan3A_278 = arith.constant 0 : i32
        scf.yield %scan3A_278 : i32
      }
      %scan3A_172 = arith.constant 8 : i32
      %scan3A_173 = arith.constant 0 : i32
      scf.yield %scan3A_173 : i32
    }
    %scan3A_72 = arith.constant 16 : i32
    %add3A_73 = arith.constant 0 : i32
    %add3A_74 = arith.addi %mul3A_2, %add3A_73 : i32
    %dma_start3A_75 = arith.constant 0 : i32
    %dma_start3A_76 = tpu.memref_slice %arg5[%add3A_74, %dma_start3A_75] : memref<2048x1024xf32, #tpu.memory_space<hbm>> -> memref<16x1024xf32, #tpu.memory_space<hbm>>
    %dma_start3A_77 = arith.constant 0 : i32
    %dma_start3A_78 = tpu.memref_slice %arg5[%add3A_74, %dma_start3A_77] : memref<2048x1024xf32, #tpu.memory_space<hbm>> -> memref<16x1024xf32, #tpu.memory_space<hbm>>
    tpu.enqueue_dma source(%arg14 : memref<16x1024xf32, #tpu.memory_space<vmem>>) target(%dma_start3A_78 : memref<16x1024xf32, #tpu.memory_space<hbm>>) target_semaphore(%arg23 : memref<!tpu.dma_semaphore, #tpu.memory_space<semaphore_mem>>)
    %dma_wait3A_79 = arith.constant 0 : i32
    %dma_wait3A_80 = tpu.memref_slice %arg5[%add3A_74, %dma_wait3A_79] : memref<2048x1024xf32, #tpu.memory_space<hbm>> -> memref<16x1024xf32, #tpu.memory_space<hbm>>
    %dma_wait3A_81 = arith.constant 0 : i32
    %dma_wait3A_82 = tpu.memref_slice %arg5[%add3A_74, %dma_wait3A_81] : memref<2048x1024xf32, #tpu.memory_space<hbm>> -> memref<16x1024xf32, #tpu.memory_space<hbm>>
    tpu.wait_dma2 semaphore(%arg23 : memref<!tpu.dma_semaphore, #tpu.memory_space<semaphore_mem>>) src(%arg14 : memref<16x1024xf32, #tpu.memory_space<vmem>>) dst(%dma_wait3A_82 : memref<16x1024xf32, #tpu.memory_space<hbm>>)
    %dma_start3A_83 = arith.constant 0 : i32
    %dma_start3A_84 = arith.constant 0 : i32
    %dma_start3A_85 = tpu.memref_slice %arg2[%dma_start3A_83, %dma_start3A_84] : memref<4096x1024xf32, #tpu.memory_space<hbm>> -> memref<4096x1024xf32, #tpu.memory_space<hbm>>
    tpu.enqueue_indirect_dma source(%dma_start3A_85 : memref<4096x1024xf32, #tpu.memory_space<hbm>>) target(%arg14 : memref<16x1024xf32, #tpu.memory_space<vmem>>) offsets(%arg8 : memref<16xi32, #tpu.memory_space<vmem>>) semaphore(%arg19 : memref<!tpu.dma_semaphore, #tpu.memory_space<semaphore_mem>>)
    %dma_start3A_86 = arith.constant 0 : i32
    %dma_start3A_87 = arith.constant 0 : i32
    %dma_start3A_88 = tpu.memref_slice %arg2[%dma_start3A_86, %dma_start3A_87] : memref<4096x1024xf32, #tpu.memory_space<hbm>> -> memref<4096x1024xf32, #tpu.memory_space<hbm>>
    tpu.enqueue_indirect_dma source(%dma_start3A_88 : memref<4096x1024xf32, #tpu.memory_space<hbm>>) target(%arg16 : memref<16x1024xf32, #tpu.memory_space<vmem>>) offsets(%arg12 : memref<16xi32, #tpu.memory_space<vmem>>) semaphore(%arg21 : memref<!tpu.dma_semaphore, #tpu.memory_space<semaphore_mem>>)
    %dma_wait3A_89 = arith.constant 0 : i32
    %dma_wait3A_90 = arith.constant 0 : i32
    %dma_wait3A_91 = tpu.memref_slice %arg2[%dma_wait3A_89, %dma_wait3A_90] : memref<4096x1024xf32, #tpu.memory_space<hbm>> -> memref<4096x1024xf32, #tpu.memory_space<hbm>>
    tpu.wait_indirect_dma semaphore(%arg20 : memref<!tpu.dma_semaphore, #tpu.memory_space<semaphore_mem>>) src(%dma_wait3A_91 : memref<4096x1024xf32, #tpu.memory_space<hbm>>) dst(%arg15 : memref<16x1024xf32, #tpu.memory_space<vmem>>)
    %dma_wait3A_92 = arith.constant 0 : i32
    %dma_wait3A_93 = arith.constant 0 : i32
    %dma_wait3A_94 = tpu.memref_slice %arg2[%dma_wait3A_92, %dma_wait3A_93] : memref<4096x1024xf32, #tpu.memory_space<hbm>> -> memref<4096x1024xf32, #tpu.memory_space<hbm>>
    tpu.wait_indirect_dma semaphore(%arg22 : memref<!tpu.dma_semaphore, #tpu.memory_space<semaphore_mem>>) src(%dma_wait3A_94 : memref<4096x1024xf32, #tpu.memory_space<hbm>>) dst(%arg17 : memref<16x1024xf32, #tpu.memory_space<vmem>>)
    %scan3A_95 = arith.constant 0 : i32
    %scan3A_96 = arith.constant 0 : i32
    %scan3A_97 = arith.constant 16 : i32
    %scan3A_98 = arith.addi %scan3A_96, %scan3A_97 : i32
    %scan3A_99 = arith.constant 1 : i32
    %scan3A_100 = scf.for %scan3A_164 = %scan3A_96 to %scan3A_98 step %scan3A_99 iter_args(%scan3A_165 = %scan3A_95) -> (i32)  : i32 {
      %scan3A_166 = arith.constant 0 : i32
      %scan3A_167 = arith.constant 0 : i32
      %scan3A_168 = arith.constant 8 : i32
      %scan3A_169 = arith.addi %scan3A_167, %scan3A_168 : i32
      %scan3A_170 = arith.constant 1 : i32
      %scan3A_171 = scf.for %scan3A_174 = %scan3A_167 to %scan3A_169 step %scan3A_170 iter_args(%scan3A_175 = %scan3A_166) -> (i32)  : i32 {
        %mul3A_176 = arith.constant 128 : i32
        %mul3A_177 = arith.muli %scan3A_174, %mul3A_176 : i32
        %add3A_178 = arith.constant 0 : i32
        %add3A_179 = arith.addi %mul3A_177, %add3A_178 : i32
        %get3A = arith.index_cast %scan3A_164 : i32 to index
        %get3A_180 = arith.index_cast %add3A_179 : i32 to index
        %get3A_181 = tpu.vector_load %arg17[%get3A, %get3A_180] {strides = array<i32>} : memref<16x1024xf32, #tpu.memory_space<vmem>>, vector<1x16xf32>,
        %get3A_182 = vector.shape_cast %get3A_181 : vector<1x16xf32> to vector<16xf32>
        %swap3A = arith.index_cast %scan3A_164 : i32 to index
        %swap3A_183 = arith.index_cast %add3A_179 : i32 to index
        %swap3A_184 = tpu.vector_load %arg15[%swap3A, %swap3A_183] {strides = array<i32>} : memref<16x1024xf32, #tpu.memory_space<vmem>>, vector<1x16xf32>,
        %swap3A_185 = vector.shape_cast %swap3A_184 : vector<1x16xf32> to vector<16xf32>
        %swap3A_186 = vector.shape_cast %get3A_182 : vector<16xf32> to vector<1x16xf32>
        tpu.vector_store %arg15[%swap3A, %swap3A_183], %swap3A_186 {add = true, strides = array<i32>} : memref<16x1024xf32, #tpu.memory_space<vmem>>, vector<1x16xf32>,
        %mul3A_187 = arith.constant 128 : i32
        %mul3A_188 = arith.muli %scan3A_174, %mul3A_187 : i32
        %add3A_189 = arith.constant 16 : i32
        %add3A_190 = arith.addi %mul3A_188, %add3A_189 : i32
        %get3A_191 = arith.index_cast %scan3A_164 : i32 to index
        %get3A_192 = arith.index_cast %add3A_190 : i32 to index
        %get3A_193 = tpu.vector_load %arg17[%get3A_191, %get3A_192] {strides = array<i32>} : memref<16x1024xf32, #tpu.memory_space<vmem>>, vector<1x16xf32>,
        %get3A_194 = vector.shape_cast %get3A_193 : vector<1x16xf32> to vector<16xf32>
        %swap3A_195 = arith.index_cast %scan3A_164 : i32 to index
        %swap3A_196 = arith.index_cast %add3A_190 : i32 to index
        %swap3A_197 = tpu.vector_load %arg15[%swap3A_195, %swap3A_196] {strides = array<i32>} : memref<16x1024xf32, #tpu.memory_space<vmem>>, vector<1x16xf32>,
        %swap3A_198 = vector.shape_cast %swap3A_197 : vector<1x16xf32> to vector<16xf32>
        %swap3A_199 = vector.shape_cast %get3A_194 : vector<16xf32> to vector<1x16xf32>
        tpu.vector_store %arg15[%swap3A_195, %swap3A_196], %swap3A_199 {add = true, strides = array<i32>} : memref<16x1024xf32, #tpu.memory_space<vmem>>, vector<1x16xf32>,
        %mul3A_200 = arith.constant 128 : i32
        %mul3A_201 = arith.muli %scan3A_174, %mul3A_200 : i32
        %add3A_202 = arith.constant 32 : i32
        %add3A_203 = arith.addi %mul3A_201, %add3A_202 : i32
        %get3A_204 = arith.index_cast %scan3A_164 : i32 to index
        %get3A_205 = arith.index_cast %add3A_203 : i32 to index
        %get3A_206 = tpu.vector_load %arg17[%get3A_204, %get3A_205] {strides = array<i32>} : memref<16x1024xf32, #tpu.memory_space<vmem>>, vector<1x16xf32>,
        %get3A_207 = vector.shape_cast %get3A_206 : vector<1x16xf32> to vector<16xf32>
        %swap3A_208 = arith.index_cast %scan3A_164 : i32 to index
        %swap3A_209 = arith.index_cast %add3A_203 : i32 to index
        %swap3A_210 = tpu.vector_load %arg15[%swap3A_208, %swap3A_209] {strides = array<i32>} : memref<16x1024xf32, #tpu.memory_space<vmem>>, vector<1x16xf32>,
        %swap3A_211 = vector.shape_cast %swap3A_210 : vector<1x16xf32> to vector<16xf32>
        %swap3A_212 = vector.shape_cast %get3A_207 : vector<16xf32> to vector<1x16xf32>
        tpu.vector_store %arg15[%swap3A_208, %swap3A_209], %swap3A_212 {add = true, strides = array<i32>} : memref<16x1024xf32, #tpu.memory_space<vmem>>, vector<1x16xf32>,
        %mul3A_213 = arith.constant 128 : i32
        %mul3A_214 = arith.muli %scan3A_174, %mul3A_213 : i32
        %add3A_215 = arith.constant 48 : i32
        %add3A_216 = arith.addi %mul3A_214, %add3A_215 : i32
        %get3A_217 = arith.index_cast %scan3A_164 : i32 to index
        %get3A_218 = arith.index_cast %add3A_216 : i32 to index
        %get3A_219 = tpu.vector_load %arg17[%get3A_217, %get3A_218] {strides = array<i32>} : memref<16x1024xf32, #tpu.memory_space<vmem>>, vector<1x16xf32>,
        %get3A_220 = vector.shape_cast %get3A_219 : vector<1x16xf32> to vector<16xf32>
        %swap3A_221 = arith.index_cast %scan3A_164 : i32 to index
        %swap3A_222 = arith.index_cast %add3A_216 : i32 to index
        %swap3A_223 = tpu.vector_load %arg15[%swap3A_221, %swap3A_222] {strides = array<i32>} : memref<16x1024xf32, #tpu.memory_space<vmem>>, vector<1x16xf32>,
        %swap3A_224 = vector.shape_cast %swap3A_223 : vector<1x16xf32> to vector<16xf32>
        %swap3A_225 = vector.shape_cast %get3A_220 : vector<16xf32> to vector<1x16xf32>
        tpu.vector_store %arg15[%swap3A_221, %swap3A_222], %swap3A_225 {add = true, strides = array<i32>} : memref<16x1024xf32, #tpu.memory_space<vmem>>, vector<1x16xf32>,
        %mul3A_226 = arith.constant 128 : i32
        %mul3A_227 = arith.muli %scan3A_174, %mul3A_226 : i32
        %add3A_228 = arith.constant 64 : i32
        %add3A_229 = arith.addi %mul3A_227, %add3A_228 : i32
        %get3A_230 = arith.index_cast %scan3A_164 : i32 to index
        %get3A_231 = arith.index_cast %add3A_229 : i32 to index
        %get3A_232 = tpu.vector_load %arg17[%get3A_230, %get3A_231] {strides = array<i32>} : memref<16x1024xf32, #tpu.memory_space<vmem>>, vector<1x16xf32>,
        %get3A_233 = vector.shape_cast %get3A_232 : vector<1x16xf32> to vector<16xf32>
        %swap3A_234 = arith.index_cast %scan3A_164 : i32 to index
        %swap3A_235 = arith.index_cast %add3A_229 : i32 to index
        %swap3A_236 = tpu.vector_load %arg15[%swap3A_234, %swap3A_235] {strides = array<i32>} : memref<16x1024xf32, #tpu.memory_space<vmem>>, vector<1x16xf32>,
        %swap3A_237 = vector.shape_cast %swap3A_236 : vector<1x16xf32> to vector<16xf32>
        %swap3A_238 = vector.shape_cast %get3A_233 : vector<16xf32> to vector<1x16xf32>
        tpu.vector_store %arg15[%swap3A_234, %swap3A_235], %swap3A_238 {add = true, strides = array<i32>} : memref<16x1024xf32, #tpu.memory_space<vmem>>, vector<1x16xf32>,
        %mul3A_239 = arith.constant 128 : i32
        %mul3A_240 = arith.muli %scan3A_174, %mul3A_239 : i32
        %add3A_241 = arith.constant 80 : i32
        %add3A_242 = arith.addi %mul3A_240, %add3A_241 : i32
        %get3A_243 = arith.index_cast %scan3A_164 : i32 to index
        %get3A_244 = arith.index_cast %add3A_242 : i32 to index
        %get3A_245 = tpu.vector_load %arg17[%get3A_243, %get3A_244] {strides = array<i32>} : memref<16x1024xf32, #tpu.memory_space<vmem>>, vector<1x16xf32>,
        %get3A_246 = vector.shape_cast %get3A_245 : vector<1x16xf32> to vector<16xf32>
        %swap3A_247 = arith.index_cast %scan3A_164 : i32 to index
        %swap3A_248 = arith.index_cast %add3A_242 : i32 to index
        %swap3A_249 = tpu.vector_load %arg15[%swap3A_247, %swap3A_248] {strides = array<i32>} : memref<16x1024xf32, #tpu.memory_space<vmem>>, vector<1x16xf32>,
        %swap3A_250 = vector.shape_cast %swap3A_249 : vector<1x16xf32> to vector<16xf32>
        %swap3A_251 = vector.shape_cast %get3A_246 : vector<16xf32> to vector<1x16xf32>
        tpu.vector_store %arg15[%swap3A_247, %swap3A_248], %swap3A_251 {add = true, strides = array<i32>} : memref<16x1024xf32, #tpu.memory_space<vmem>>, vector<1x16xf32>,
        %mul3A_252 = arith.constant 128 : i32
        %mul3A_253 = arith.muli %scan3A_174, %mul3A_252 : i32
        %add3A_254 = arith.constant 96 : i32
        %add3A_255 = arith.addi %mul3A_253, %add3A_254 : i32
        %get3A_256 = arith.index_cast %scan3A_164 : i32 to index
        %get3A_257 = arith.index_cast %add3A_255 : i32 to index
        %get3A_258 = tpu.vector_load %arg17[%get3A_256, %get3A_257] {strides = array<i32>} : memref<16x1024xf32, #tpu.memory_space<vmem>>, vector<1x16xf32>,
        %get3A_259 = vector.shape_cast %get3A_258 : vector<1x16xf32> to vector<16xf32>
        %swap3A_260 = arith.index_cast %scan3A_164 : i32 to index
        %swap3A_261 = arith.index_cast %add3A_255 : i32 to index
        %swap3A_262 = tpu.vector_load %arg15[%swap3A_260, %swap3A_261] {strides = array<i32>} : memref<16x1024xf32, #tpu.memory_space<vmem>>, vector<1x16xf32>,
        %swap3A_263 = vector.shape_cast %swap3A_262 : vector<1x16xf32> to vector<16xf32>
        %swap3A_264 = vector.shape_cast %get3A_259 : vector<16xf32> to vector<1x16xf32>
        tpu.vector_store %arg15[%swap3A_260, %swap3A_261], %swap3A_264 {add = true, strides = array<i32>} : memref<16x1024xf32, #tpu.memory_space<vmem>>, vector<1x16xf32>,
        %mul3A_265 = arith.constant 128 : i32
        %mul3A_266 = arith.muli %scan3A_174, %mul3A_265 : i32
        %add3A_267 = arith.constant 112 : i32
        %add3A_268 = arith.addi %mul3A_266, %add3A_267 : i32
        %get3A_269 = arith.index_cast %scan3A_164 : i32 to index
        %get3A_270 = arith.index_cast %add3A_268 : i32 to index
        %get3A_271 = tpu.vector_load %arg17[%get3A_269, %get3A_270] {strides = array<i32>} : memref<16x1024xf32, #tpu.memory_space<vmem>>, vector<1x16xf32>,
        %get3A_272 = vector.shape_cast %get3A_271 : vector<1x16xf32> to vector<16xf32>
        %swap3A_273 = arith.index_cast %scan3A_164 : i32 to index
        %swap3A_274 = arith.index_cast %add3A_268 : i32 to index
        %swap3A_275 = tpu.vector_load %arg15[%swap3A_273, %swap3A_274] {strides = array<i32>} : memref<16x1024xf32, #tpu.memory_space<vmem>>, vector<1x16xf32>,
        %swap3A_276 = vector.shape_cast %swap3A_275 : vector<1x16xf32> to vector<16xf32>
        %swap3A_277 = vector.shape_cast %get3A_272 : vector<16xf32> to vector<1x16xf32>
        tpu.vector_store %arg15[%swap3A_273, %swap3A_274], %swap3A_277 {add = true, strides = array<i32>} : memref<16x1024xf32, #tpu.memory_space<vmem>>, vector<1x16xf32>,
        %scan3A_278 = arith.constant 0 : i32
        scf.yield %scan3A_278 : i32
      }
      %scan3A_172 = arith.constant 8 : i32
      %scan3A_173 = arith.constant 0 : i32
      scf.yield %scan3A_173 : i32
    }
    %scan3A_101 = arith.constant 16 : i32
    %add3A_102 = arith.constant 16 : i32
    %add3A_103 = arith.addi %mul3A_2, %add3A_102 : i32
    %dma_start3A_104 = arith.constant 0 : i32
    %dma_start3A_105 = tpu.memref_slice %arg5[%add3A_103, %dma_start3A_104] : memref<2048x1024xf32, #tpu.memory_space<hbm>> -> memref<16x1024xf32, #tpu.memory_space<hbm>>
    %dma_start3A_106 = arith.constant 0 : i32
    %dma_start3A_107 = tpu.memref_slice %arg5[%add3A_103, %dma_start3A_106] : memref<2048x1024xf32, #tpu.memory_space<hbm>> -> memref<16x1024xf32, #tpu.memory_space<hbm>>
    tpu.enqueue_dma source(%arg15 : memref<16x1024xf32, #tpu.memory_space<vmem>>) target(%dma_start3A_107 : memref<16x1024xf32, #tpu.memory_space<hbm>>) target_semaphore(%arg24 : memref<!tpu.dma_semaphore, #tpu.memory_space<semaphore_mem>>)
    %dma_wait3A_108 = arith.constant 0 : i32
    %dma_wait3A_109 = tpu.memref_slice %arg5[%add3A_103, %dma_wait3A_108] : memref<2048x1024xf32, #tpu.memory_space<hbm>> -> memref<16x1024xf32, #tpu.memory_space<hbm>>
    %dma_wait3A_110 = arith.constant 0 : i32
    %dma_wait3A_111 = tpu.memref_slice %arg5[%add3A_103, %dma_wait3A_110] : memref<2048x1024xf32, #tpu.memory_space<hbm>> -> memref<16x1024xf32, #tpu.memory_space<hbm>>
    tpu.wait_dma2 semaphore(%arg24 : memref<!tpu.dma_semaphore, #tpu.memory_space<semaphore_mem>>) src(%arg15 : memref<16x1024xf32, #tpu.memory_space<vmem>>) dst(%dma_wait3A_111 : memref<16x1024xf32, #tpu.memory_space<hbm>>)
    %dma_start3A_112 = arith.constant 0 : i32
    %dma_start3A_113 = arith.constant 0 : i32
    %dma_start3A_114 = tpu.memref_slice %arg2[%dma_start3A_112, %dma_start3A_113] : memref<4096x1024xf32, #tpu.memory_space<hbm>> -> memref<4096x1024xf32, #tpu.memory_space<hbm>>
    tpu.enqueue_indirect_dma source(%dma_start3A_114 : memref<4096x1024xf32, #tpu.memory_space<hbm>>) target(%arg15 : memref<16x1024xf32, #tpu.memory_space<vmem>>) offsets(%arg9 : memref<16xi32, #tpu.memory_space<vmem>>) semaphore(%arg20 : memref<!tpu.dma_semaphore, #tpu.memory_space<semaphore_mem>>)
    %dma_start3A_115 = arith.constant 0 : i32
    %dma_start3A_116 = arith.constant 0 : i32
    %dma_start3A_117 = tpu.memref_slice %arg2[%dma_start3A_115, %dma_start3A_116] : memref<4096x1024xf32, #tpu.memory_space<hbm>> -> memref<4096x1024xf32, #tpu.memory_space<hbm>>
    tpu.enqueue_indirect_dma source(%dma_start3A_117 : memref<4096x1024xf32, #tpu.memory_space<hbm>>) target(%arg17 : memref<16x1024xf32, #tpu.memory_space<vmem>>) offsets(%arg13 : memref<16xi32, #tpu.memory_space<vmem>>) semaphore(%arg22 : memref<!tpu.dma_semaphore, #tpu.memory_space<semaphore_mem>>)
    %dma_wait3A_118 = arith.constant 0 : i32
    %dma_wait3A_119 = arith.constant 0 : i32
    %dma_wait3A_120 = tpu.memref_slice %arg2[%dma_wait3A_118, %dma_wait3A_119] : memref<4096x1024xf32, #tpu.memory_space<hbm>> -> memref<4096x1024xf32, #tpu.memory_space<hbm>>
    tpu.wait_indirect_dma semaphore(%arg19 : memref<!tpu.dma_semaphore, #tpu.memory_space<semaphore_mem>>) src(%dma_wait3A_120 : memref<4096x1024xf32, #tpu.memory_space<hbm>>) dst(%arg14 : memref<16x1024xf32, #tpu.memory_space<vmem>>)
    %dma_wait3A_121 = arith.constant 0 : i32
    %dma_wait3A_122 = arith.constant 0 : i32
    %dma_wait3A_123 = tpu.memref_slice %arg2[%dma_wait3A_121, %dma_wait3A_122] : memref<4096x1024xf32, #tpu.memory_space<hbm>> -> memref<4096x1024xf32, #tpu.memory_space<hbm>>
    tpu.wait_indirect_dma semaphore(%arg21 : memref<!tpu.dma_semaphore, #tpu.memory_space<semaphore_mem>>) src(%dma_wait3A_123 : memref<4096x1024xf32, #tpu.memory_space<hbm>>) dst(%arg16 : memref<16x1024xf32, #tpu.memory_space<vmem>>)
    %scan3A_124 = arith.constant 0 : i32
    %scan3A_125 = arith.constant 0 : i32
    %scan3A_126 = arith.constant 16 : i32
    %scan3A_127 = arith.addi %scan3A_125, %scan3A_126 : i32
    %scan3A_128 = arith.constant 1 : i32
    %scan3A_129 = scf.for %scan3A_164 = %scan3A_125 to %scan3A_127 step %scan3A_128 iter_args(%scan3A_165 = %scan3A_124) -> (i32)  : i32 {
      %scan3A_166 = arith.constant 0 : i32
      %scan3A_167 = arith.constant 0 : i32
      %scan3A_168 = arith.constant 8 : i32
      %scan3A_169 = arith.addi %scan3A_167, %scan3A_168 : i32
      %scan3A_170 = arith.constant 1 : i32
      %scan3A_171 = scf.for %scan3A_174 = %scan3A_167 to %scan3A_169 step %scan3A_170 iter_args(%scan3A_175 = %scan3A_166) -> (i32)  : i32 {
        %mul3A_176 = arith.constant 128 : i32
        %mul3A_177 = arith.muli %scan3A_174, %mul3A_176 : i32
        %add3A_178 = arith.constant 0 : i32
        %add3A_179 = arith.addi %mul3A_177, %add3A_178 : i32
        %get3A = arith.index_cast %scan3A_164 : i32 to index
        %get3A_180 = arith.index_cast %add3A_179 : i32 to index
        %get3A_181 = tpu.vector_load %arg16[%get3A, %get3A_180] {strides = array<i32>} : memref<16x1024xf32, #tpu.memory_space<vmem>>, vector<1x16xf32>,
        %get3A_182 = vector.shape_cast %get3A_181 : vector<1x16xf32> to vector<16xf32>
        %swap3A = arith.index_cast %scan3A_164 : i32 to index
        %swap3A_183 = arith.index_cast %add3A_179 : i32 to index
        %swap3A_184 = tpu.vector_load %arg14[%swap3A, %swap3A_183] {strides = array<i32>} : memref<16x1024xf32, #tpu.memory_space<vmem>>, vector<1x16xf32>,
        %swap3A_185 = vector.shape_cast %swap3A_184 : vector<1x16xf32> to vector<16xf32>
        %swap3A_186 = vector.shape_cast %get3A_182 : vector<16xf32> to vector<1x16xf32>
        tpu.vector_store %arg14[%swap3A, %swap3A_183], %swap3A_186 {add = true, strides = array<i32>} : memref<16x1024xf32, #tpu.memory_space<vmem>>, vector<1x16xf32>,
        %mul3A_187 = arith.constant 128 : i32
        %mul3A_188 = arith.muli %scan3A_174, %mul3A_187 : i32
        %add3A_189 = arith.constant 16 : i32
        %add3A_190 = arith.addi %mul3A_188, %add3A_189 : i32
        %get3A_191 = arith.index_cast %scan3A_164 : i32 to index
        %get3A_192 = arith.index_cast %add3A_190 : i32 to index
        %get3A_193 = tpu.vector_load %arg16[%get3A_191, %get3A_192] {strides = array<i32>} : memref<16x1024xf32, #tpu.memory_space<vmem>>, vector<1x16xf32>,
        %get3A_194 = vector.shape_cast %get3A_193 : vector<1x16xf32> to vector<16xf32>
        %swap3A_195 = arith.index_cast %scan3A_164 : i32 to index
        %swap3A_196 = arith.index_cast %add3A_190 : i32 to index
        %swap3A_197 = tpu.vector_load %arg14[%swap3A_195, %swap3A_196] {strides = array<i32>} : memref<16x1024xf32, #tpu.memory_space<vmem>>, vector<1x16xf32>,
        %swap3A_198 = vector.shape_cast %swap3A_197 : vector<1x16xf32> to vector<16xf32>
        %swap3A_199 = vector.shape_cast %get3A_194 : vector<16xf32> to vector<1x16xf32>
        tpu.vector_store %arg14[%swap3A_195, %swap3A_196], %swap3A_199 {add = true, strides = array<i32>} : memref<16x1024xf32, #tpu.memory_space<vmem>>, vector<1x16xf32>,
        %mul3A_200 = arith.constant 128 : i32
        %mul3A_201 = arith.muli %scan3A_174, %mul3A_200 : i32
        %add3A_202 = arith.constant 32 : i32
        %add3A_203 = arith.addi %mul3A_201, %add3A_202 : i32
        %get3A_204 = arith.index_cast %scan3A_164 : i32 to index
        %get3A_205 = arith.index_cast %add3A_203 : i32 to index
        %get3A_206 = tpu.vector_load %arg16[%get3A_204, %get3A_205] {strides = array<i32>} : memref<16x1024xf32, #tpu.memory_space<vmem>>, vector<1x16xf32>,
        %get3A_207 = vector.shape_cast %get3A_206 : vector<1x16xf32> to vector<16xf32>
        %swap3A_208 = arith.index_cast %scan3A_164 : i32 to index
        %swap3A_209 = arith.index_cast %add3A_203 : i32 to index
        %swap3A_210 = tpu.vector_load %arg14[%swap3A_208, %swap3A_209] {strides = array<i32>} : memref<16x1024xf32, #tpu.memory_space<vmem>>, vector<1x16xf32>,
        %swap3A_211 = vector.shape_cast %swap3A_210 : vector<1x16xf32> to vector<16xf32>
        %swap3A_212 = vector.shape_cast %get3A_207 : vector<16xf32> to vector<1x16xf32>
        tpu.vector_store %arg14[%swap3A_208, %swap3A_209], %swap3A_212 {add = true, strides = array<i32>} : memref<16x1024xf32, #tpu.memory_space<vmem>>, vector<1x16xf32>,
        %mul3A_213 = arith.constant 128 : i32
        %mul3A_214 = arith.muli %scan3A_174, %mul3A_213 : i32
        %add3A_215 = arith.constant 48 : i32
        %add3A_216 = arith.addi %mul3A_214, %add3A_215 : i32
        %get3A_217 = arith.index_cast %scan3A_164 : i32 to index
        %get3A_218 = arith.index_cast %add3A_216 : i32 to index
        %get3A_219 = tpu.vector_load %arg16[%get3A_217, %get3A_218] {strides = array<i32>} : memref<16x1024xf32, #tpu.memory_space<vmem>>, vector<1x16xf32>,
        %get3A_220 = vector.shape_cast %get3A_219 : vector<1x16xf32> to vector<16xf32>
        %swap3A_221 = arith.index_cast %scan3A_164 : i32 to index
        %swap3A_222 = arith.index_cast %add3A_216 : i32 to index
        %swap3A_223 = tpu.vector_load %arg14[%swap3A_221, %swap3A_222] {strides = array<i32>} : memref<16x1024xf32, #tpu.memory_space<vmem>>, vector<1x16xf32>,
        %swap3A_224 = vector.shape_cast %swap3A_223 : vector<1x16xf32> to vector<16xf32>
        %swap3A_225 = vector.shape_cast %get3A_220 : vector<16xf32> to vector<1x16xf32>
        tpu.vector_store %arg14[%swap3A_221, %swap3A_222], %swap3A_225 {add = true, strides = array<i32>} : memref<16x1024xf32, #tpu.memory_space<vmem>>, vector<1x16xf32>,
        %mul3A_226 = arith.constant 128 : i32
        %mul3A_227 = arith.muli %scan3A_174, %mul3A_226 : i32
        %add3A_228 = arith.constant 64 : i32
        %add3A_229 = arith.addi %mul3A_227, %add3A_228 : i32
        %get3A_230 = arith.index_cast %scan3A_164 : i32 to index
        %get3A_231 = arith.index_cast %add3A_229 : i32 to index
        %get3A_232 = tpu.vector_load %arg16[%get3A_230, %get3A_231] {strides = array<i32>} : memref<16x1024xf32, #tpu.memory_space<vmem>>, vector<1x16xf32>,
        %get3A_233 = vector.shape_cast %get3A_232 : vector<1x16xf32> to vector<16xf32>
        %swap3A_234 = arith.index_cast %scan3A_164 : i32 to index
        %swap3A_235 = arith.index_cast %add3A_229 : i32 to index
        %swap3A_236 = tpu.vector_load %arg14[%swap3A_234, %swap3A_235] {strides = array<i32>} : memref<16x1024xf32, #tpu.memory_space<vmem>>, vector<1x16xf32>,
        %swap3A_237 = vector.shape_cast %swap3A_236 : vector<1x16xf32> to vector<16xf32>
        %swap3A_238 = vector.shape_cast %get3A_233 : vector<16xf32> to vector<1x16xf32>
        tpu.vector_store %arg14[%swap3A_234, %swap3A_235], %swap3A_238 {add = true, strides = array<i32>} : memref<16x1024xf32, #tpu.memory_space<vmem>>, vector<1x16xf32>,
        %mul3A_239 = arith.constant 128 : i32
        %mul3A_240 = arith.muli %scan3A_174, %mul3A_239 : i32
        %add3A_241 = arith.constant 80 : i32
        %add3A_242 = arith.addi %mul3A_240, %add3A_241 : i32
        %get3A_243 = arith.index_cast %scan3A_164 : i32 to index
        %get3A_244 = arith.index_cast %add3A_242 : i32 to index
        %get3A_245 = tpu.vector_load %arg16[%get3A_243, %get3A_244] {strides = array<i32>} : memref<16x1024xf32, #tpu.memory_space<vmem>>, vector<1x16xf32>,
        %get3A_246 = vector.shape_cast %get3A_245 : vector<1x16xf32> to vector<16xf32>
        %swap3A_247 = arith.index_cast %scan3A_164 : i32 to index
        %swap3A_248 = arith.index_cast %add3A_242 : i32 to index
        %swap3A_249 = tpu.vector_load %arg14[%swap3A_247, %swap3A_248] {strides = array<i32>} : memref<16x1024xf32, #tpu.memory_space<vmem>>, vector<1x16xf32>,
        %swap3A_250 = vector.shape_cast %swap3A_249 : vector<1x16xf32> to vector<16xf32>
        %swap3A_251 = vector.shape_cast %get3A_246 : vector<16xf32> to vector<1x16xf32>
        tpu.vector_store %arg14[%swap3A_247, %swap3A_248], %swap3A_251 {add = true, strides = array<i32>} : memref<16x1024xf32, #tpu.memory_space<vmem>>, vector<1x16xf32>,
        %mul3A_252 = arith.constant 128 : i32
        %mul3A_253 = arith.muli %scan3A_174, %mul3A_252 : i32
        %add3A_254 = arith.constant 96 : i32
        %add3A_255 = arith.addi %mul3A_253, %add3A_254 : i32
        %get3A_256 = arith.index_cast %scan3A_164 : i32 to index
        %get3A_257 = arith.index_cast %add3A_255 : i32 to index
        %get3A_258 = tpu.vector_load %arg16[%get3A_256, %get3A_257] {strides = array<i32>} : memref<16x1024xf32, #tpu.memory_space<vmem>>, vector<1x16xf32>,
        %get3A_259 = vector.shape_cast %get3A_258 : vector<1x16xf32> to vector<16xf32>
        %swap3A_260 = arith.index_cast %scan3A_164 : i32 to index
        %swap3A_261 = arith.index_cast %add3A_255 : i32 to index
        %swap3A_262 = tpu.vector_load %arg14[%swap3A_260, %swap3A_261] {strides = array<i32>} : memref<16x1024xf32, #tpu.memory_space<vmem>>, vector<1x16xf32>,
        %swap3A_263 = vector.shape_cast %swap3A_262 : vector<1x16xf32> to vector<16xf32>
        %swap3A_264 = vector.shape_cast %get3A_259 : vector<16xf32> to vector<1x16xf32>
        tpu.vector_store %arg14[%swap3A_260, %swap3A_261], %swap3A_264 {add = true, strides = array<i32>} : memref<16x1024xf32, #tpu.memory_space<vmem>>, vector<1x16xf32>,
        %mul3A_265 = arith.constant 128 : i32
        %mul3A_266 = arith.muli %scan3A_174, %mul3A_265 : i32
        %add3A_267 = arith.constant 112 : i32
        %add3A_268 = arith.addi %mul3A_266, %add3A_267 : i32
        %get3A_269 = arith.index_cast %scan3A_164 : i32 to index
        %get3A_270 = arith.index_cast %add3A_268 : i32 to index
        %get3A_271 = tpu.vector_load %arg16[%get3A_269, %get3A_270] {strides = array<i32>} : memref<16x1024xf32, #tpu.memory_space<vmem>>, vector<1x16xf32>,
        %get3A_272 = vector.shape_cast %get3A_271 : vector<1x16xf32> to vector<16xf32>
        %swap3A_273 = arith.index_cast %scan3A_164 : i32 to index
        %swap3A_274 = arith.index_cast %add3A_268 : i32 to index
        %swap3A_275 = tpu.vector_load %arg14[%swap3A_273, %swap3A_274] {strides = array<i32>} : memref<16x1024xf32, #tpu.memory_space<vmem>>, vector<1x16xf32>,
        %swap3A_276 = vector.shape_cast %swap3A_275 : vector<1x16xf32> to vector<16xf32>
        %swap3A_277 = vector.shape_cast %get3A_272 : vector<16xf32> to vector<1x16xf32>
        tpu.vector_store %arg14[%swap3A_273, %swap3A_274], %swap3A_277 {add = true, strides = array<i32>} : memref<16x1024xf32, #tpu.memory_space<vmem>>, vector<1x16xf32>,
        %scan3A_278 = arith.constant 0 : i32
        scf.yield %scan3A_278 : i32
      }
      %scan3A_172 = arith.constant 8 : i32
      %scan3A_173 = arith.constant 0 : i32
      scf.yield %scan3A_173 : i32
    }
    %scan3A_130 = arith.constant 16 : i32
    %add3A_131 = arith.constant 32 : i32
    %add3A_132 = arith.addi %mul3A_2, %add3A_131 : i32
    %dma_start3A_133 = arith.constant 0 : i32
    %dma_start3A_134 = tpu.memref_slice %arg5[%add3A_132, %dma_start3A_133] : memref<2048x1024xf32, #tpu.memory_space<hbm>> -> memref<16x1024xf32, #tpu.memory_space<hbm>>
    %dma_start3A_135 = arith.constant 0 : i32
    %dma_start3A_136 = tpu.memref_slice %arg5[%add3A_132, %dma_start3A_135] : memref<2048x1024xf32, #tpu.memory_space<hbm>> -> memref<16x1024xf32, #tpu.memory_space<hbm>>
    tpu.enqueue_dma source(%arg14 : memref<16x1024xf32, #tpu.memory_space<vmem>>) target(%dma_start3A_136 : memref<16x1024xf32, #tpu.memory_space<hbm>>) target_semaphore(%arg23 : memref<!tpu.dma_semaphore, #tpu.memory_space<semaphore_mem>>)
    %dma_wait3A_137 = arith.constant 0 : i32
    %dma_wait3A_138 = arith.constant 0 : i32
    %dma_wait3A_139 = tpu.memref_slice %arg2[%dma_wait3A_137, %dma_wait3A_138] : memref<4096x1024xf32, #tpu.memory_space<hbm>> -> memref<4096x1024xf32, #tpu.memory_space<hbm>>
    tpu.wait_indirect_dma semaphore(%arg20 : memref<!tpu.dma_semaphore, #tpu.memory_space<semaphore_mem>>) src(%dma_wait3A_139 : memref<4096x1024xf32, #tpu.memory_space<hbm>>) dst(%arg15 : memref<16x1024xf32, #tpu.memory_space<vmem>>)
    %dma_wait3A_140 = arith.constant 0 : i32
    %dma_wait3A_141 = arith.constant 0 : i32
    %dma_wait3A_142 = tpu.memref_slice %arg2[%dma_wait3A_140, %dma_wait3A_141] : memref<4096x1024xf32, #tpu.memory_space<hbm>> -> memref<4096x1024xf32, #tpu.memory_space<hbm>>
    tpu.wait_indirect_dma semaphore(%arg22 : memref<!tpu.dma_semaphore, #tpu.memory_space<semaphore_mem>>) src(%dma_wait3A_142 : memref<4096x1024xf32, #tpu.memory_space<hbm>>) dst(%arg17 : memref<16x1024xf32, #tpu.memory_space<vmem>>)
    %scan3A_143 = arith.constant 0 : i32
    %scan3A_144 = arith.constant 0 : i32
    %scan3A_145 = arith.constant 16 : i32
    %scan3A_146 = arith.addi %scan3A_144, %scan3A_145 : i32
    %scan3A_147 = arith.constant 1 : i32
    %scan3A_148 = scf.for %scan3A_164 = %scan3A_144 to %scan3A_146 step %scan3A_147 iter_args(%scan3A_165 = %scan3A_143) -> (i32)  : i32 {
      %scan3A_166 = arith.constant 0 : i32
      %scan3A_167 = arith.constant 0 : i32
      %scan3A_168 = arith.constant 8 : i32
      %scan3A_169 = arith.addi %scan3A_167, %scan3A_168 : i32
      %scan3A_170 = arith.constant 1 : i32
      %scan3A_171 = scf.for %scan3A_174 = %scan3A_167 to %scan3A_169 step %scan3A_170 iter_args(%scan3A_175 = %scan3A_166) -> (i32)  : i32 {
        %mul3A_176 = arith.constant 128 : i32
        %mul3A_177 = arith.muli %scan3A_174, %mul3A_176 : i32
        %add3A_178 = arith.constant 0 : i32
        %add3A_179 = arith.addi %mul3A_177, %add3A_178 : i32
        %get3A = arith.index_cast %scan3A_164 : i32 to index
        %get3A_180 = arith.index_cast %add3A_179 : i32 to index
        %get3A_181 = tpu.vector_load %arg17[%get3A, %get3A_180] {strides = array<i32>} : memref<16x1024xf32, #tpu.memory_space<vmem>>, vector<1x16xf32>,
        %get3A_182 = vector.shape_cast %get3A_181 : vector<1x16xf32> to vector<16xf32>
        %swap3A = arith.index_cast %scan3A_164 : i32 to index
        %swap3A_183 = arith.index_cast %add3A_179 : i32 to index
        %swap3A_184 = tpu.vector_load %arg15[%swap3A, %swap3A_183] {strides = array<i32>} : memref<16x1024xf32, #tpu.memory_space<vmem>>, vector<1x16xf32>,
        %swap3A_185 = vector.shape_cast %swap3A_184 : vector<1x16xf32> to vector<16xf32>
        %swap3A_186 = vector.shape_cast %get3A_182 : vector<16xf32> to vector<1x16xf32>
        tpu.vector_store %arg15[%swap3A, %swap3A_183], %swap3A_186 {add = true, strides = array<i32>} : memref<16x1024xf32, #tpu.memory_space<vmem>>, vector<1x16xf32>,
        %mul3A_187 = arith.constant 128 : i32
        %mul3A_188 = arith.muli %scan3A_174, %mul3A_187 : i32
        %add3A_189 = arith.constant 16 : i32
        %add3A_190 = arith.addi %mul3A_188, %add3A_189 : i32
        %get3A_191 = arith.index_cast %scan3A_164 : i32 to index
        %get3A_192 = arith.index_cast %add3A_190 : i32 to index
        %get3A_193 = tpu.vector_load %arg17[%get3A_191, %get3A_192] {strides = array<i32>} : memref<16x1024xf32, #tpu.memory_space<vmem>>, vector<1x16xf32>,
        %get3A_194 = vector.shape_cast %get3A_193 : vector<1x16xf32> to vector<16xf32>
        %swap3A_195 = arith.index_cast %scan3A_164 : i32 to index
        %swap3A_196 = arith.index_cast %add3A_190 : i32 to index
        %swap3A_197 = tpu.vector_load %arg15[%swap3A_195, %swap3A_196] {strides = array<i32>} : memref<16x1024xf32, #tpu.memory_space<vmem>>, vector<1x16xf32>,
        %swap3A_198 = vector.shape_cast %swap3A_197 : vector<1x16xf32> to vector<16xf32>
        %swap3A_199 = vector.shape_cast %get3A_194 : vector<16xf32> to vector<1x16xf32>
        tpu.vector_store %arg15[%swap3A_195, %swap3A_196], %swap3A_199 {add = true, strides = array<i32>} : memref<16x1024xf32, #tpu.memory_space<vmem>>, vector<1x16xf32>,
        %mul3A_200 = arith.constant 128 : i32
        %mul3A_201 = arith.muli %scan3A_174, %mul3A_200 : i32
        %add3A_202 = arith.constant 32 : i32
        %add3A_203 = arith.addi %mul3A_201, %add3A_202 : i32
        %get3A_204 = arith.index_cast %scan3A_164 : i32 to index
        %get3A_205 = arith.index_cast %add3A_203 : i32 to index
        %get3A_206 = tpu.vector_load %arg17[%get3A_204, %get3A_205] {strides = array<i32>} : memref<16x1024xf32, #tpu.memory_space<vmem>>, vector<1x16xf32>,
        %get3A_207 = vector.shape_cast %get3A_206 : vector<1x16xf32> to vector<16xf32>
        %swap3A_208 = arith.index_cast %scan3A_164 : i32 to index
        %swap3A_209 = arith.index_cast %add3A_203 : i32 to index
        %swap3A_210 = tpu.vector_load %arg15[%swap3A_208, %swap3A_209] {strides = array<i32>} : memref<16x1024xf32, #tpu.memory_space<vmem>>, vector<1x16xf32>,
        %swap3A_211 = vector.shape_cast %swap3A_210 : vector<1x16xf32> to vector<16xf32>
        %swap3A_212 = vector.shape_cast %get3A_207 : vector<16xf32> to vector<1x16xf32>
        tpu.vector_store %arg15[%swap3A_208, %swap3A_209], %swap3A_212 {add = true, strides = array<i32>} : memref<16x1024xf32, #tpu.memory_space<vmem>>, vector<1x16xf32>,
        %mul3A_213 = arith.constant 128 : i32
        %mul3A_214 = arith.muli %scan3A_174, %mul3A_213 : i32
        %add3A_215 = arith.constant 48 : i32
        %add3A_216 = arith.addi %mul3A_214, %add3A_215 : i32
        %get3A_217 = arith.index_cast %scan3A_164 : i32 to index
        %get3A_218 = arith.index_cast %add3A_216 : i32 to index
        %get3A_219 = tpu.vector_load %arg17[%get3A_217, %get3A_218] {strides = array<i32>} : memref<16x1024xf32, #tpu.memory_space<vmem>>, vector<1x16xf32>,
        %get3A_220 = vector.shape_cast %get3A_219 : vector<1x16xf32> to vector<16xf32>
        %swap3A_221 = arith.index_cast %scan3A_164 : i32 to index
        %swap3A_222 = arith.index_cast %add3A_216 : i32 to index
        %swap3A_223 = tpu.vector_load %arg15[%swap3A_221, %swap3A_222] {strides = array<i32>} : memref<16x1024xf32, #tpu.memory_space<vmem>>, vector<1x16xf32>,
        %swap3A_224 = vector.shape_cast %swap3A_223 : vector<1x16xf32> to vector<16xf32>
        %swap3A_225 = vector.shape_cast %get3A_220 : vector<16xf32> to vector<1x16xf32>
        tpu.vector_store %arg15[%swap3A_221, %swap3A_222], %swap3A_225 {add = true, strides = array<i32>} : memref<16x1024xf32, #tpu.memory_space<vmem>>, vector<1x16xf32>,
        %mul3A_226 = arith.constant 128 : i32
        %mul3A_227 = arith.muli %scan3A_174, %mul3A_226 : i32
        %add3A_228 = arith.constant 64 : i32
        %add3A_229 = arith.addi %mul3A_227, %add3A_228 : i32
        %get3A_230 = arith.index_cast %scan3A_164 : i32 to index
        %get3A_231 = arith.index_cast %add3A_229 : i32 to index
        %get3A_232 = tpu.vector_load %arg17[%get3A_230, %get3A_231] {strides = array<i32>} : memref<16x1024xf32, #tpu.memory_space<vmem>>, vector<1x16xf32>,
        %get3A_233 = vector.shape_cast %get3A_232 : vector<1x16xf32> to vector<16xf32>
        %swap3A_234 = arith.index_cast %scan3A_164 : i32 to index
        %swap3A_235 = arith.index_cast %add3A_229 : i32 to index
        %swap3A_236 = tpu.vector_load %arg15[%swap3A_234, %swap3A_235] {strides = array<i32>} : memref<16x1024xf32, #tpu.memory_space<vmem>>, vector<1x16xf32>,
        %swap3A_237 = vector.shape_cast %swap3A_236 : vector<1x16xf32> to vector<16xf32>
        %swap3A_238 = vector.shape_cast %get3A_233 : vector<16xf32> to vector<1x16xf32>
        tpu.vector_store %arg15[%swap3A_234, %swap3A_235], %swap3A_238 {add = true, strides = array<i32>} : memref<16x1024xf32, #tpu.memory_space<vmem>>, vector<1x16xf32>,
        %mul3A_239 = arith.constant 128 : i32
        %mul3A_240 = arith.muli %scan3A_174, %mul3A_239 : i32
        %add3A_241 = arith.constant 80 : i32
        %add3A_242 = arith.addi %mul3A_240, %add3A_241 : i32
        %get3A_243 = arith.index_cast %scan3A_164 : i32 to index
        %get3A_244 = arith.index_cast %add3A_242 : i32 to index
        %get3A_245 = tpu.vector_load %arg17[%get3A_243, %get3A_244] {strides = array<i32>} : memref<16x1024xf32, #tpu.memory_space<vmem>>, vector<1x16xf32>,
        %get3A_246 = vector.shape_cast %get3A_245 : vector<1x16xf32> to vector<16xf32>
        %swap3A_247 = arith.index_cast %scan3A_164 : i32 to index
        %swap3A_248 = arith.index_cast %add3A_242 : i32 to index
        %swap3A_249 = tpu.vector_load %arg15[%swap3A_247, %swap3A_248] {strides = array<i32>} : memref<16x1024xf32, #tpu.memory_space<vmem>>, vector<1x16xf32>,
        %swap3A_250 = vector.shape_cast %swap3A_249 : vector<1x16xf32> to vector<16xf32>
        %swap3A_251 = vector.shape_cast %get3A_246 : vector<16xf32> to vector<1x16xf32>
        tpu.vector_store %arg15[%swap3A_247, %swap3A_248], %swap3A_251 {add = true, strides = array<i32>} : memref<16x1024xf32, #tpu.memory_space<vmem>>, vector<1x16xf32>,
        %mul3A_252 = arith.constant 128 : i32
        %mul3A_253 = arith.muli %scan3A_174, %mul3A_252 : i32
        %add3A_254 = arith.constant 96 : i32
        %add3A_255 = arith.addi %mul3A_253, %add3A_254 : i32
        %get3A_256 = arith.index_cast %scan3A_164 : i32 to index
        %get3A_257 = arith.index_cast %add3A_255 : i32 to index
        %get3A_258 = tpu.vector_load %arg17[%get3A_256, %get3A_257] {strides = array<i32>} : memref<16x1024xf32, #tpu.memory_space<vmem>>, vector<1x16xf32>,
        %get3A_259 = vector.shape_cast %get3A_258 : vector<1x16xf32> to vector<16xf32>
        %swap3A_260 = arith.index_cast %scan3A_164 : i32 to index
        %swap3A_261 = arith.index_cast %add3A_255 : i32 to index
        %swap3A_262 = tpu.vector_load %arg15[%swap3A_260, %swap3A_261] {strides = array<i32>} : memref<16x1024xf32, #tpu.memory_space<vmem>>, vector<1x16xf32>,
        %swap3A_263 = vector.shape_cast %swap3A_262 : vector<1x16xf32> to vector<16xf32>
        %swap3A_264 = vector.shape_cast %get3A_259 : vector<16xf32> to vector<1x16xf32>
        tpu.vector_store %arg15[%swap3A_260, %swap3A_261], %swap3A_264 {add = true, strides = array<i32>} : memref<16x1024xf32, #tpu.memory_space<vmem>>, vector<1x16xf32>,
        %mul3A_265 = arith.constant 128 : i32
        %mul3A_266 = arith.muli %scan3A_174, %mul3A_265 : i32
        %add3A_267 = arith.constant 112 : i32
        %add3A_268 = arith.addi %mul3A_266, %add3A_267 : i32
        %get3A_269 = arith.index_cast %scan3A_164 : i32 to index
        %get3A_270 = arith.index_cast %add3A_268 : i32 to index
        %get3A_271 = tpu.vector_load %arg17[%get3A_269, %get3A_270] {strides = array<i32>} : memref<16x1024xf32, #tpu.memory_space<vmem>>, vector<1x16xf32>,
        %get3A_272 = vector.shape_cast %get3A_271 : vector<1x16xf32> to vector<16xf32>
        %swap3A_273 = arith.index_cast %scan3A_164 : i32 to index
        %swap3A_274 = arith.index_cast %add3A_268 : i32 to index
        %swap3A_275 = tpu.vector_load %arg15[%swap3A_273, %swap3A_274] {strides = array<i32>} : memref<16x1024xf32, #tpu.memory_space<vmem>>, vector<1x16xf32>,
        %swap3A_276 = vector.shape_cast %swap3A_275 : vector<1x16xf32> to vector<16xf32>
        %swap3A_277 = vector.shape_cast %get3A_272 : vector<16xf32> to vector<1x16xf32>
        tpu.vector_store %arg15[%swap3A_273, %swap3A_274], %swap3A_277 {add = true, strides = array<i32>} : memref<16x1024xf32, #tpu.memory_space<vmem>>, vector<1x16xf32>,
        %scan3A_278 = arith.constant 0 : i32
        scf.yield %scan3A_278 : i32
      }
      %scan3A_172 = arith.constant 8 : i32
      %scan3A_173 = arith.constant 0 : i32
      scf.yield %scan3A_173 : i32
    }
    %scan3A_149 = arith.constant 16 : i32
    %add3A_150 = arith.constant 48 : i32
    %add3A_151 = arith.addi %mul3A_2, %add3A_150 : i32
    %dma_start3A_152 = arith.constant 0 : i32
    %dma_start3A_153 = tpu.memref_slice %arg5[%add3A_151, %dma_start3A_152] : memref<2048x1024xf32, #tpu.memory_space<hbm>> -> memref<16x1024xf32, #tpu.memory_space<hbm>>
    %dma_start3A_154 = arith.constant 0 : i32
    %dma_start3A_155 = tpu.memref_slice %arg5[%add3A_151, %dma_start3A_154] : memref<2048x1024xf32, #tpu.memory_space<hbm>> -> memref<16x1024xf32, #tpu.memory_space<hbm>>
    tpu.enqueue_dma source(%arg15 : memref<16x1024xf32, #tpu.memory_space<vmem>>) target(%dma_start3A_155 : memref<16x1024xf32, #tpu.memory_space<hbm>>) target_semaphore(%arg24 : memref<!tpu.dma_semaphore, #tpu.memory_space<semaphore_mem>>)
    %dma_wait3A_156 = arith.constant 0 : i32
    %dma_wait3A_157 = tpu.memref_slice %arg5[%add3A_132, %dma_wait3A_156] : memref<2048x1024xf32, #tpu.memory_space<hbm>> -> memref<16x1024xf32, #tpu.memory_space<hbm>>
    %dma_wait3A_158 = arith.constant 0 : i32
    %dma_wait3A_159 = tpu.memref_slice %arg5[%add3A_132, %dma_wait3A_158] : memref<2048x1024xf32, #tpu.memory_space<hbm>> -> memref<16x1024xf32, #tpu.memory_space<hbm>>
    tpu.wait_dma2 semaphore(%arg23 : memref<!tpu.dma_semaphore, #tpu.memory_space<semaphore_mem>>) src(%arg14 : memref<16x1024xf32, #tpu.memory_space<vmem>>) dst(%dma_wait3A_159 : memref<16x1024xf32, #tpu.memory_space<hbm>>)
    %dma_wait3A_160 = arith.constant 0 : i32
    %dma_wait3A_161 = tpu.memref_slice %arg5[%add3A_151, %dma_wait3A_160] : memref<2048x1024xf32, #tpu.memory_space<hbm>> -> memref<16x1024xf32, #tpu.memory_space<hbm>>
    %dma_wait3A_162 = arith.constant 0 : i32
    %dma_wait3A_163 = tpu.memref_slice %arg5[%add3A_151, %dma_wait3A_162] : memref<2048x1024xf32, #tpu.memory_space<hbm>> -> memref<16x1024xf32, #tpu.memory_space<hbm>>
    tpu.wait_dma2 semaphore(%arg24 : memref<!tpu.dma_semaphore, #tpu.memory_space<semaphore_mem>>) src(%arg15 : memref<16x1024xf32, #tpu.memory_space<vmem>>) dst(%dma_wait3A_163 : memref<16x1024xf32, #tpu.memory_space<hbm>>)
    return
  }
}

module attributes {stable_mosaic.version = 14 : i64} {
  func.func @_gmm_body(%arg0: i32, %arg1: memref<15xi32, #tpu.memory_space<smem>>, %arg2: memref<15xi32, #tpu.memory_space<smem>>, %arg3: memref<15xi32, #tpu.memory_space<smem>>, %arg4: memref<15xi32, #tpu.memory_space<smem>>, %arg5: memref<15xi32, #tpu.memory_space<smem>>, %arg6: memref<512x1024xf32, #tpu.memory_space<vmem>>, %arg7: memref<1x1024x1024xbf16, #tpu.memory_space<vmem>>, %arg8: memref<512x1xf32, #tpu.memory_space<vmem>>, %arg9: memref<512x1024xf32, #tpu.memory_space<vmem>>) attributes {dimension_semantics = [#tpu.dimension_semantics<arbitrary>], iteration_bounds = array<i64: 15>, scalar_prefetch = 5 : i64, scratch_operands = 0 : i64, tpu.core_type = #tpu.core_type<tc>, window_params = [{transform_indices = @transform_0, window_bounds = array<i64: 512, 1024>}, {transform_indices = @transform_1, window_bounds = array<i64: 1, 1024, 1024>}, {transform_indices = @transform_2, window_bounds = array<i64: 512, 1>}, {transform_indices = @transform_3, window_bounds = array<i64: 512, 1024>}]} {
    %get3A = arith.constant 0 : index
    %get3A_0 = arith.constant 0 : index
    %get3A_1 = vector.load %arg6[%get3A, %get3A_0] : memref<512x1024xf32, #tpu.memory_space<vmem>>, vector<512x1024xf32>
    %convert_element_type3A = arith.truncf %get3A_1 : vector<512x1024xf32> to vector<512x1024xbf16>
    %get3A_2 = arith.constant 0 : index
    %get3A_3 = arith.constant 0 : index
    %get3A_4 = arith.constant 0 : index
    %get3A_5 = vector.load %arg7[%get3A_2, %get3A_3, %get3A_4] : memref<1x1024x1024xbf16, #tpu.memory_space<vmem>>, vector<1x1024x1024xbf16>
    %get3A_6 = vector.shape_cast %get3A_5 : vector<1x1024x1024xbf16> to vector<1024x1024xbf16>
    %dot_general3A = arith.constant dense<0.000000e+00> : vector<512x1024xf32>
    %dot_general3A_7 = tpu.matmul %convert_element_type3A, %get3A_6, %dot_general3A {dimension_numbers = #tpu.dot_dimension_numbers<[1], [1], [0], [0], [0, 0, 1, 0], [], []>, transpose_lhs_hint = false} : vector<512x1024xbf16>, vector<1024x1024xbf16>, vector<512x1024xf32> -> vector<512x1024xf32>
    %get3A_8 = arith.index_cast %arg0 : i32 to index
    %get3A_9 = memref.load %arg1[%get3A_8] : memref<15xi32, #tpu.memory_space<smem>>
    %mul3A = arith.constant 512 : i32
    %mul3A_10 = arith.muli %get3A_9, %mul3A : i32
    %iota3A = tpu.iota {dimensions = array<i32: 0>} : vector<512x1xi32>
    %add3A = vector.broadcast %mul3A_10 : i32 to vector<512x1xi32>
    %add3A_11 = arith.addi %add3A, %iota3A : vector<512x1xi32>
    %get3A_12 = arith.index_cast %arg0 : i32 to index
    %get3A_13 = memref.load %arg3[%get3A_12] : memref<15xi32, #tpu.memory_space<smem>>
    %ge3A = vector.broadcast %get3A_13 : i32 to vector<512x1xi32>
    %ge3A_14 = arith.cmpi sge, %add3A_11, %ge3A : vector<512x1xi32>
    %get3A_15 = arith.index_cast %arg0 : i32 to index
    %get3A_16 = memref.load %arg4[%get3A_15] : memref<15xi32, #tpu.memory_space<smem>>
    %lt3A = vector.broadcast %get3A_16 : i32 to vector<512x1xi32>
    %lt3A_17 = arith.cmpi slt, %add3A_11, %lt3A : vector<512x1xi32>
    %and3A = arith.andi %ge3A_14, %lt3A_17 : vector<512x1xi1>
    %get3A_18 = arith.constant 0 : index
    %get3A_19 = arith.constant 0 : index
    %get3A_20 = vector.load %arg8[%get3A_18, %get3A_19] : memref<512x1xf32, #tpu.memory_space<vmem>>, vector<512x1xf32>
    %mul3A_21 = vector.broadcast %get3A_20 : vector<512x1xf32> to vector<512x1024xf32>
    %mul3A_22 = arith.mulf %dot_general3A_7, %mul3A_21 : vector<512x1024xf32>
    %jit3A = arith.constant 0.000000e+00 : f32
    %broadcast_in_dim3A = vector.shape_cast %and3A : vector<512x1xi1> to vector<512x1xi1>
    %broadcast_in_dim3A_23 = vector.broadcast %broadcast_in_dim3A : vector<512x1xi1> to vector<512x1024xi1>
    %broadcast_in_dim3A_24 = vector.broadcast %jit3A : f32 to vector<512x1024xf32>
    %select_n3A = arith.select %broadcast_in_dim3A_23, %mul3A_22, %broadcast_in_dim3A_24 : vector<512x1024xi1>, vector<512x1024xf32>
    %get3A_25 = arith.index_cast %arg0 : i32 to index
    %get3A_26 = memref.load %arg5[%get3A_25] : memref<15xi32, #tpu.memory_space<smem>>
    %eq3A = arith.constant 1 : i32
    %eq3A_27 = arith.cmpi eq, %get3A_26, %eq3A : i32
    %convert_element_type3A_28 = arith.extui %eq3A_27 : i1 to i32
    %cond3A = arith.constant 0 : i32
    %cond3A_29 = arith.cmpi ne, %convert_element_type3A_28, %cond3A : i32
    scf.if %cond3A_29 {
      %swap3A = arith.constant 0 : index
      %swap3A_37 = arith.constant 0 : index
      %swap3A_38 = vector.load %arg9[%swap3A, %swap3A_37] : memref<512x1024xf32, #tpu.memory_space<vmem>>, vector<512x1024xf32>
      tpu.vector_store %arg9[%swap3A, %swap3A_37], %select_n3A {strides = array<i32>} : memref<512x1024xf32, #tpu.memory_space<vmem>>, vector<512x1024xf32>,
    } else {
    }
    %get3A_30 = arith.index_cast %arg0 : i32 to index
    %get3A_31 = memref.load %arg5[%get3A_30] : memref<15xi32, #tpu.memory_space<smem>>
    %eq3A_32 = arith.constant 0 : i32
    %eq3A_33 = arith.cmpi eq, %get3A_31, %eq3A_32 : i32
    %convert_element_type3A_34 = arith.extui %eq3A_33 : i1 to i32
    %cond3A_35 = arith.constant 0 : i32
    %cond3A_36 = arith.cmpi ne, %convert_element_type3A_34, %cond3A_35 : i32
    scf.if %cond3A_36 {
      %get3A_37 = arith.constant 0 : index
      %get3A_38 = arith.constant 0 : index
      %get3A_39 = vector.load %arg9[%get3A_37, %get3A_38] : memref<512x1024xf32, #tpu.memory_space<vmem>>, vector<512x1024xf32>
      %add3A_40 = arith.addf %get3A_39, %select_n3A : vector<512x1024xf32>
      %swap3A = arith.constant 0 : index
      %swap3A_41 = arith.constant 0 : index
      %swap3A_42 = vector.load %arg9[%swap3A, %swap3A_41] : memref<512x1024xf32, #tpu.memory_space<vmem>>, vector<512x1024xf32>
      tpu.vector_store %arg9[%swap3A, %swap3A_41], %add3A_40 {strides = array<i32>} : memref<512x1024xf32, #tpu.memory_space<vmem>>, vector<512x1024xf32>,
    } else {
    }
    return
  }
  func.func @transform_0(%arg0: i32, %arg1: memref<15xi32, #tpu.memory_space<smem>>, %arg2: memref<15xi32, #tpu.memory_space<smem>>, %arg3: memref<15xi32, #tpu.memory_space<smem>>, %arg4: memref<15xi32, #tpu.memory_space<smem>>, %arg5: memref<15xi32, #tpu.memory_space<smem>>) -> (i32, i32) {
    %get3A = arith.index_cast %arg0 : i32 to index
    %get3A_0 = memref.load %arg1[%get3A] : memref<15xi32, #tpu.memory_space<smem>>
    %c0_i32 = arith.constant 0 : i32
    %c0_i32_1 = arith.constant 0 : i32
    return %get3A_0, %c0_i32 : i32, i32
  }
  func.func @transform_1(%arg0: i32, %arg1: memref<15xi32, #tpu.memory_space<smem>>, %arg2: memref<15xi32, #tpu.memory_space<smem>>, %arg3: memref<15xi32, #tpu.memory_space<smem>>, %arg4: memref<15xi32, #tpu.memory_space<smem>>, %arg5: memref<15xi32, #tpu.memory_space<smem>>) -> (i32, i32, i32) {
    %get3A = arith.index_cast %arg0 : i32 to index
    %get3A_0 = memref.load %arg2[%get3A] : memref<15xi32, #tpu.memory_space<smem>>
    %c0_i32 = arith.constant 0 : i32
    %c0_i32_1 = arith.constant 0 : i32
    %c0_i32_2 = arith.constant 0 : i32
    return %get3A_0, %c0_i32, %c0_i32_1 : i32, i32, i32
  }
  func.func @transform_2(%arg0: i32, %arg1: memref<15xi32, #tpu.memory_space<smem>>, %arg2: memref<15xi32, #tpu.memory_space<smem>>, %arg3: memref<15xi32, #tpu.memory_space<smem>>, %arg4: memref<15xi32, #tpu.memory_space<smem>>, %arg5: memref<15xi32, #tpu.memory_space<smem>>) -> (i32, i32) {
    %get3A = arith.index_cast %arg0 : i32 to index
    %get3A_0 = memref.load %arg1[%get3A] : memref<15xi32, #tpu.memory_space<smem>>
    %c0_i32 = arith.constant 0 : i32
    %c0_i32_1 = arith.constant 0 : i32
    return %get3A_0, %c0_i32 : i32, i32
  }
  func.func @transform_3(%arg0: i32, %arg1: memref<15xi32, #tpu.memory_space<smem>>, %arg2: memref<15xi32, #tpu.memory_space<smem>>, %arg3: memref<15xi32, #tpu.memory_space<smem>>, %arg4: memref<15xi32, #tpu.memory_space<smem>>, %arg5: memref<15xi32, #tpu.memory_space<smem>>) -> (i32, i32) {
    %get3A = arith.index_cast %arg0 : i32 to index
    %get3A_0 = memref.load %arg1[%get3A] : memref<15xi32, #tpu.memory_space<smem>>
    %c0_i32 = arith.constant 0 : i32
    %c0_i32_1 = arith.constant 0 : i32
    return %get3A_0, %c0_i32 : i32, i32
  }
}

</mosaic_0001>

<sc_bundles>
// kernel: kernel.5.cloned.1.call-start
scs
__scs_entry_jumppad:
0x0: {  	(pc) =	sbr.rel $0x88, $3  }
0x1: {  	(tag) =	ssettag $0x0;
	lr =	simm.s32 $0x1  }
0x2: {  	[smem:$0x3F9E] =	sst lr;
	_ =	strace $0xD0000000  }
0x3: {  	_ = 	snop  }
0x4: {  	_ = 	snop  }
0x5: {  	_ = 	snop  }
0x6: {  	_ = 	snop  }
0x7: {  	_ = 	snop  }
__scs_overlays_trampoline_lowered:
0x8: {  	[smem:$0x3FAD] =	sst s0  }
0x9: {  	[smem:$0x3FAE] =	sst s1  }
0xa: {  	[smem:$0x3FAF] =	sst s2  }
0xb: {  	[smem:$0x3FB0] =	sst s3  }
0xc: {  	[smem:$0x3FB1] =	sst s4  }
0xd: {  	[smem:$0x3FB2] =	sst s5  }
0xe: {  	[smem:$0x3FB3] =	sst s6  }
0xf: {  	[smem:$0x3FB4] =	sst s7  }
0x10: {  	[smem:$0x3FB5] =	sst s8  }
0x11: {  	[smem:$0x3FB6] =	sst s9;
	s0 =	simm.s32 @!p0 $0x0  }
0x12: {  	s1 =	sld [smem:$0x3F9C];
	s0 =	simm.s32 @p0 $0x1  }
0x13: {  	[smem:$0x3FB7] =	sst s0;
	s0 =	simm.s32 @!p1 $0x0  }
0x14: {  	s2 =	sld [smem:$0x3F9B];
	s0 =	simm.s32 @p1 $0x1  }
0x15: {  	[smem:$0x3FB8] =	sst s0;
	s0 =	simm.s32 @!p2 $0x0  }
0x16: {  	s3 =	sld [smem:$0x3FDB];
	s0 =	simm.s32 @p2 $0x1  }
0x17: {  	s4 =	simm.s32 $0x1BF5;
	[smem:$0x3FBA] =	sst s0  }
0x18: {  	s0 =	sld [smem:$0x3F9D];
	_ =	swait.ge [sflag:s4], $0x0  }
0x19: {  	s7 =	sld [smem:$0x3F9E]  }
0x1a: {  	s8 =	sadd.s32 $0xFFFFE003, lr  }
0x1b: {  	s9 =	sadd.s32 $0xFFFFFEF7, lr;
	s5 =	simm.s32 $0xFFFFFFFF;
	p2 =	slt.u32 s8, $0xFFFFF086  }
0x1c: {  	p1 =	slt.u32 s9, $0xF7A;
	s5 =	simm.s32 @!p2 $0x0  }
0x1d: {  	s5 =	simm.s32 @p1 $0x1;
	p0 =	seq.s32 s7, s2  }
0x1e: {  	s7 =	smul.u32 @!p0 $0xF7A, s2;
	p2 =	seq.s32 @!p0 s5, $0x0  }
0x1f: {  	s9 =	smul.u32 $0xF7A, s1;
	s8 =	simm.s32 @!p0 $0x1BF5;
	p2 =	por !p2, p0  }
0x20: {  	[sflag:s8] =	ssyncset.s32 @!p0 $0xFFFFF086;
	s6 =	sadd.s32 @!p0 s3, s7;
	s7 =	simm.s32 @!p0 $0x108  }
0x21: {  	s3 =	sadd.s32 s3, s9;
	s6 =	sadd.s32 @!p0 $0x88, s6;
	s7 =	simm.s32 @p2 $0x1082  }
0x22: {  	[simem:s7], [sflag:s8] =	dma.local @!p0 [hbm:s6], $0xF7A  }
0x23: {  	s9 =	sor.u32 $0xD0000000, s2;
	s6 =	simm.s32 $0x108;
	_ =	swait.ge @!p0 [sflag:s8], $0x0  }
0x24: {  	s3 =	sadd.s32 $0x88, s3;
	s6 =	simm.s32 @!p1 $0x1082;
	[sflag:s4] =	ssyncset.s32 $0xFFFFF086  }
0x25: {  	[simem:s6], [sflag:s4] =	dma.local [hbm:s3], $0xF7A  }
0x26: {  	[smem:$0x3F9E] =	sst s1;
	(tag) =	ssettag s2;
	_ =	strace s9  }
0x27: {  	s1 =	sld [smem:$0x3FAE]  }
0x28: {  	s2 =	sld [smem:$0x3FAF]  }
0x29: {  	s4 =	sld [smem:$0x3FB1]  }
0x2a: {  	p0 =	seq.s32 s5, $0x0;
	s5 =	sld [smem:$0x3FB2]  }
0x2b: {  	s6 =	sld [smem:$0x3FB3]  }
0x2c: {  	s7 =	sld [smem:$0x3FB4]  }
0x2d: {  	s3 =	simm.s32 $0x108;
	s8 =	sld [smem:$0x3FB5]  }
0x2e: {  	s3 =	simm.s32 @!p0 $0x1082;
	s9 =	sld [smem:$0x3FB6]  }
0x2f: {  	lr =	sadd.s32 s0, s3;
	s0 =	sld [smem:$0x3FAD]  }
0x30: {  	s3 =	sld [smem:$0x3FB0]  }
0x31: {  	[smem:$0x3FB9] =	sst s10  }
0x32: {  	s10 =	sld [smem:$0x3FB7];
	_ =	sdelay $0x3  }
0x33: {  	p0 =	seq.s32 s10, $0x1;
	s10 =	sld [smem:$0x3FB9];
	_ =	sdelay $0x3  }
0x34: {  	[smem:$0x3FB9] =	sst s10  }
0x35: {  	s10 =	sld [smem:$0x3FB8];
	_ =	sdelay $0x3  }
0x36: {  	p1 =	seq.s32 s10, $0x1;
	s10 =	sld [smem:$0x3FB9];
	_ =	sdelay $0x3  }
0x37: {  	[smem:$0x3FB9] =	sst s10  }
0x38: {  	s10 =	sld [smem:$0x3FBA]  }
0x39: {  	_ = 	snop;
	(pc) =	sbr.ind lr, $3  }
0x3a: {  	_ = 	snop  }
0x3b: {  	_ = 	snop  }
0x3c: {  	p2 =	seq.s32 s10, $0x1;
	s10 =	sld [smem:$0x3FB9]  }
0x3d: {  	_ =	shalt  }
0x3e: {  	_ =	shalt  }
0x3f: {  	_ =	shalt  }
0x40: {  	_ =	shalt  }
0x41: {  	_ =	shalt  }
0x42: {  	_ =	shalt  }
0x43: {  	_ =	shalt  }
0x44: {  	_ =	shalt  }
0x45: {  	_ =	shalt  }
0x46: {  	_ =	shalt  }
0x47: {  	_ =	shalt  }
0x48: {  	_ =	shalt  }
0x49: {  	_ =	shalt  }
0x4a: {  	_ =	shalt  }
0x4b: {  	_ =	shalt  }
0x4c: {  	_ =	shalt  }
0x4d: {  	_ =	shalt  }
0x4e: {  	_ =	shalt  }
0x4f: {  	_ =	shalt  }
0x50: {  	_ =	shalt  }
0x51: {  	_ =	shalt  }
0x52: {  	_ =	shalt  }
0x53: {  	_ =	shalt  }
0x54: {  	_ =	shalt  }
0x55: {  	_ =	shalt  }
0x56: {  	_ =	shalt  }
0x57: {  	_ =	shalt  }
0x58: {  	_ =	shalt  }
0x59: {  	_ =	shalt  }
0x5a: {  	_ =	shalt  }
0x5b: {  	_ =	shalt  }
0x5c: {  	_ =	shalt  }
0x5d: {  	_ =	shalt  }
0x5e: {  	_ =	shalt  }
0x5f: {  	_ =	shalt  }
0x60: {  	_ =	shalt  }
0x61: {  	_ =	shalt  }
0x62: {  	_ =	shalt  }
0x63: {  	_ =	shalt  }
0x64: {  	_ =	shalt  }
0x65: {  	_ =	shalt  }
0x66: {  	_ =	shalt  }
0x67: {  	_ =	shalt  }
0x68: {  	_ =	shalt  }
0x69: {  	_ =	shalt  }
0x6a: {  	_ =	shalt  }
0x6b: {  	_ =	shalt  }
0x6c: {  	_ =	shalt  }
0x6d: {  	_ =	shalt  }
0x6e: {  	_ =	shalt  }
0x6f: {  	_ =	shalt  }
0x70: {  	_ =	shalt  }
0x71: {  	_ =	shalt  }
0x72: {  	_ =	shalt  }
0x73: {  	_ =	shalt  }
0x74: {  	_ =	shalt  }
0x75: {  	_ =	shalt  }
0x76: {  	_ =	shalt  }
0x77: {  	_ =	shalt  }
0x78: {  	_ =	shalt  }
0x79: {  	_ =	shalt  }
0x7a: {  	_ =	shalt  }
0x7b: {  	_ =	shalt  }
0x7c: {  	_ =	shalt  }
0x7d: {  	_ =	shalt  }
0x7e: {  	_ =	shalt  }
0x7f: {  	_ =	shalt  }
0x80: {  	_ =	shalt  }
0x81: {  	_ =	shalt  }
0x82: {  	_ =	shalt  }
0x83: {  	_ =	shalt  }
0x84: {  	_ =	shalt  }
0x85: {  	_ =	shalt  }
0x86: {  	_ =	shalt  }
0x87: {  	_ =	shalt  }
.Lfunc_end0:
.L_simem_size_0:
called_computation_lowered:
.L_overlay_start_0:
0x88: {  	s2 =	sld [smem:$0x3FD9]  }
0x89: {  	s3 =	sld [smem:$0x3FFE];
	_ =	sdelay $0x1  }
0x8a: {  	s1 =	srdreg.scid  }
0x8b: {  	s0 =	sand.u32 $0x1, s1  }
0x8c: {  	s17 =	sshll.u32 s0, $0xA;
	s2 =	sadd.s32 s3, s2  }
0x8d: {  	s2 =	sadd.s32 s2, s17  }
0x8e: {  	[smem:$0x3FC5] =	sst s2  }
0x8f: {  	_ = 	snop  }
0x90: {  	s2 =	sld [smem:$0x3FC9];
	(tm) =	ssettm $0x1  }
0x91: {  	s18 =	sld [smem:$0x3FFB];
	_ =	sdelay $0x3  }
0x92: {  	_ =	strace s18  }
0x93: {  	s3 =	sld [smem:$0x3FFC];
	_ =	sdelay $0x3  }
0x94: {  	_ =	strace s3  }
0x95: {  	s3 =	sld [smem:$0x3FFD];
	_ =	sdelay $0x3  }
0x96: {  	_ =	strace s3  }
0x97: {  	_ =	strace $0x8FFFFFFF  }
0x98: {  	s19 =	sld [smem:$0x3FDB];
	_ =	sdelay $0x1  }
0x99: {  	s4 =	simm.s32 $_scs_section_size  }
0x9a: {  	s5 =	simm.s32 $_size__tile_overlayer_lowered;
	s6 =	simm.s32 $_tile_overlayer_lowered  }
0x9b: {  	s22 =	simm.s32 $0x1BFF;
	s21 =	sshll.u32 s6, $0x1;
	s3 =	sadd.s32 s4, s19  }
0x9c: {  	s7 =	simm.s32 $0x0;
	s20 =	sshll.u32 s5, $0x1;
	s5 =	sadd.s32 s21, s3  }
0x9d: {  	[timem:s7], [sflag:s22] =	dma.local [hbm:s5], s20  }
0x9e: {  	_ =	swait.ge [sflag:s22], s20  }
0x9f: {  	s4 =	ssub.s32 $0x0, s20;
	[sflag:s22] =	ssyncset.done $0x0  }
0xa0: {  	[sflag:s22] =	ssyncadd.s32 s4;
	_ =	sdelay $0x1  }
0xa1: {  	s23 =	simm.s32 $0x1B8B  }
0xa2: {  	_ =	swait.ge [sflag:s23], $0x1  }
0xa3: {  	[sflag:s23] =	ssyncset.done $0x0  }
0xa4: {  	s25 =	simm.s32 $0x1B8E;
	s24 =	sld [smem:$0x3FFE];
	[sflag:s23] =	ssyncadd.s32 $0xFFFFFFFF  }
0xa5: {  	s26 =	simm.s32 $execute0_lowered;
	[smem:$0x3FD2] =	sst s25  }
0xa6: {  	s5 =	sshll.u32 s26, $0x1;
	_ =	strace $0x80000046;
	[dreg:$0x1] =	wrdreg $0xFFFFFFFF  }
0xa7: {  	s28 =	simm.s32 $_size_execute0_lowered;
	s3 =	sadd.s32 s3, s5;
	[dreg:$0x0] =	wrdreg $0x0  }
0xa8: {  	s5 =	sshll.u32 s28, $0x1;
	[dreg:$0x2] =	wrdreg s3  }
0xa9: {  	[dreg:$0x3] =	wrdreg s5  }
0xaa: {  	[dreg:$0x4] =	wrdreg $0xC0  }
0xab: {  	_ =	task [dreg:s7], $0x5FFFF  }
0xac: {  	[dreg:$0x1] =	wrdreg $0xFFFFFFFF  }
0xad: {  	[dreg:$0x0] =	wrdreg $0x60  }
0xae: {  	[dreg:$0x2] =	wrdreg s2  }
0xaf: {  	[dreg:$0x3] =	wrdreg s24  }
0xb0: {  	[dreg:$0x4] =	wrdreg $0x9  }
0xb1: {  	_ =	task.clear_ibuf [dreg:s7], $0x5FFFF;
	_ =	strace $0x90000046  }
0xb2: {  	s29 =	simm.s32 $0x9;
	_ =	strace $0x80000048  }
0xb3: {  	_ =	swait.ge [sflag:s29], $0x1  }
0xb4: {  	[sflag:s29] =	ssyncadd.s32 $0xFFFFFFFF  }
0xb5: {  	_ =	strace $0x90000048  }
0xb6: {  	_ =	sfence  }
0xb7: {  	s30 =	sld [smem:$0x0];
	_ =	sdelay $0x2  }
0xb8: {  	s31 =	sshll.u32 s1, $0xD;
	s1 =	sshrl.u32 s1, $0x2  }
0xb9: {  	s3 =	sand.u32 $0x4000, s31;
	s1 =	sadd.s32 s1, s30  }
0xba: {  	s0 =	sor.u32 s3, s0;
	s1 =	sshll.u32 s1, $0x11  }
0xbb: {  	s0 =	sor.u32 s1, s0  }
0xbc: {  	s0 =	sadd.s32 $0x8F2B, s0  }
0xbd: {  	[sflag:s0] =	ssyncadd.remote.s32 $0x1  }
0xbe: {  	_ =	sfence.sel $0xFFFF  }
0xbf: {  	[dreg:$0x0] =	wrdreg $0xFFFFFFFF;
	(pc) =	sbr.abs _section_cstart, $3  }
0xc0: {  	[dreg:$0x1] =	wrdreg $0xFFFFFFFF  }
0xc1: {  	_ =	task.clear_ibuf [dreg:s7], $0x2FFFF;
	_ =	strace $0x9FFFFFFF  }
0xc2: {  	(tm) =	ssettm $0x7FFFFFFF  }
0xc3: {  	_ =	shalt  }
tec
execute0_lowered:
.L_overlay_start_1:
0x0: {  	(tag) =	ssettag $0x1  }
0x1: {  	s0 =	rddreg [dreg:$0x0]  }
0x2: {  	s1 =	rddreg [dreg:$0x1];
	s2 =	srdreg.scid  }
0x3: {  	s3 =	stileid.u32;
	s26 =	simm.s32 $0x80;
	s21 =	simm.s32 $0x2  }
0x4: {  	s28 =	simm.s32 $0x3100;
	s29 =	simm.s32 $0x3900;
	s30 =	simm.s32 $0x4100  }
0x5: {  	s31 =	simm.s32 $0x4900;
	s12 =	simm.s32 $0x6900;
	s13 =	simm.s32 $0x7100  }
0x6: {  	s14 =	simm.s32 $0x7900;
	s15 =	simm.s32 $0x8100;
	s16 =	simm.s32 $0x8900  }
0x7: {  	s17 =	simm.s32 $0x9100;
	s18 =	simm.s32 $0x9900;
	s19 =	simm.s32 $0xA100  }
0x8: {  	s20 =	simm.s32 $0xA900;
	s9 =	simm.s32 $0xB100;
	s10 =	simm.s32 $0xB900  }
0x9: {  	s4 =	sand.u32 $0x1, s2;
	s2 =	simm.s32 $0x0;
	s3 =	sshll.u32 s3, $0x7  }
0xa: {  	s5 =	sshll.u32 s4, $0x6;
	[smem:$0x7FF] =	sst s2;
	s4 =	ssub.s32 $0x2, s4  }
0xb: {  	s5 =	sor.u32 s5, s3;
	_ =	strace $0x80000047;
	s3 =	sadd.s32 $0x400, s1  }
0xc: {  	s25 =	sshrl.u32 s4, $0x1;
	[dreg:$0x5] =	wrdreg s26;
	s26 =	simm.s32 $0x2900  }
0xd: {  	s6 =	sshrl.u32 s5, $0x3;
	s5 =	sshll.u32 s5, $0x7;
	s4 =	ssub.s32 s4, s25  }
0xe: {  	s25 =	simm.s32 $0x2100;
	s7 =	sadd.s32 s1, s6;
	s0 =	sadd.s32 s0, s5  }
0xf: {  	v2 =	vlaneseq.u32;
	s5 =	sadd.s32 $0x500, s1;
	s6 =	sadd.s32 $0x600, s1;
	[dreg:$0x6] =	wrdreg s7  }
0x10: {  	vm0 =	vmmov $0xffff;
	v1 =	vshrl.u32 v2, $0x3;
	s8 =	smax.u32 s4, $0x1;
	s7 =	sadd.s32 $0x200, s7;
	[dreg:$0x4] =	wrdreg s0  }
0x11: {  	v0 =	vand.u32 $0x7, v2;
	v2 =	vor.u32 $0x8, v2;
	v1 =	vmul.u32 $0x8, v1;
	[dreg:$0x3] =	wrdreg s7;
	s7 =	sadd.s32 $0x700, s1;
	s1 =	simm.s32 $0x1  }
.LBB2_1:
0x12: {  	s22 =	rddreg [dreg:$0x3]  }
0x13: {  	s23 =	rddreg [dreg:$0x5]  }
0x14: {  	[tilespmem:s2], [sflag:$0x1] =	stream.linear.gather [hbm4b:s22+s2], $0x40, $0x38;
	[tilespmem:$0x10100] =	vst v63  }
0x15: {  	s24 =	rddreg [dreg:$0x6]  }
0x16: {  	[tilespmem:s23], [sflag:$0x2] =	stream.linear.gather [hbm4b:s24+s2], $0x40, $0x38;
	[tilespmem:$0x10100] =	vst v63  }
0x17: {  	s0 =	rddreg [dreg:$0x4];
	s11 =	simm.s32 $0x100  }
0x18: {  	[tilespmem:s11], [sflag:$0x3] =	stream.linear.gather [hbm4b:s0+s2], $0x10000, $0x38;
	[tilespmem:$0x10100] =	vst v63  }
0x19: {  	_ =	swait.ge [sflag:s1], $0x40  }
0x1a: {  	[sflag:s1] =	ssyncset.done $0x0  }
0x1b: {  	s0 =	simm.s32 $0x3;
	[sflag:s1] =	ssyncadd.s32 $0xFFFFFFC0  }
0x1c: {  	_ =	swait.ge [sflag:s0], $0x10000  }
0x1d: {  	[sflag:s0] =	ssyncset.done $0x0  }
0x1e: {  	[sflag:s0] =	ssyncadd.s32 $0xFFFF0000  }
0x1f: {  	v3 =	vld [tilespmem:$0x0];
	_ =	sdelay $0x4  }
0x20: {  	v4 =	vshll.u32 v3, $0x3  }
0x21: {  	v3 =	vand.u32 $0x7, v3;
	v4 =	vand.u32 $0xFFFFFFC0, v4  }
0x22: {  	v3 =	vor.u32 v3, v4  }
0x23: {  	v4 =	vperm.xlane v3, v0;
	_ =	sdelay $0x1  }
0x24: {  	v4 =	vadd.s32 v1, v4;
	_ =	sdelay $0x4  }
0x25: {  	[hbm4b:s3+s2] =	stream.indirect_vreg.scatter [tilespmem:s11], [sflag:$0x1], $0x80, v4, vm0, $0xb8;
	[tilespmem:$0x10100] =	vst v63  }
0x26: {  	s22 =	simm.s32 $0x900;
	v3 =	vperm.xlane v3, v2  }
0x27: {  	[hbm4b:s5+s2] =	stream.indirect_vreg.scatter [tilespmem:s22], [sflag:$0x1], $0x80, v4, vm0, $0xb8;
	[tilespmem:$0x10100] =	vst v63  }
0x28: {  	s23 =	simm.s32 $0x1100;
	v3 =	vadd.s32 v1, v3  }
0x29: {  	[hbm4b:s6+s2] =	stream.indirect_vreg.scatter [tilespmem:s23], [sflag:$0x1], $0x80, v4, vm0, $0xb8;
	[tilespmem:$0x10100] =	vst v63  }
0x2a: {  	s24 =	simm.s32 $0x1900  }
0x2b: {  	[hbm4b:s7+s2] =	stream.indirect_vreg.scatter [tilespmem:s24], [sflag:$0x1], $0x80, v4, vm0, $0xb8;
	[tilespmem:$0x10100] =	vst v63  }
0x2c: {  	_ = 	snop  }
0x2d: {  	[hbm4b:s3+s2] =	stream.indirect_vreg.scatter [tilespmem:s25], [sflag:$0x1], $0x80, v3, vm0, $0xb8;
	[tilespmem:$0x10100] =	vst v63  }
0x2e: {  	_ = 	snop  }
0x2f: {  	[hbm4b:s5+s2] =	stream.indirect_vreg.scatter [tilespmem:s26], [sflag:$0x1], $0x80, v3, vm0, $0xb8;
	[tilespmem:$0x10100] =	vst v63  }
0x30: {  	_ = 	snop  }
0x31: {  	[hbm4b:s6+s2] =	stream.indirect_vreg.scatter [tilespmem:s28], [sflag:$0x1], $0x80, v3, vm0, $0xb8;
	[tilespmem:$0x10100] =	vst v63  }
0x32: {  	_ = 	snop  }
0x33: {  	[hbm4b:s7+s2] =	stream.indirect_vreg.scatter [tilespmem:s29], [sflag:$0x1], $0x80, v3, vm0, $0xb8;
	[tilespmem:$0x10100] =	vst v63  }
0x34: {  	v3 =	vld [tilespmem:$0x10];
	_ =	sdelay $0x4  }
0x35: {  	v57 =	vshll.u32 v3, $0x3  }
0x36: {  	v3 =	vand.u32 $0x7, v3;
	v4 =	vand.u32 $0xFFFFFFC0, v57  }
0x37: {  	v3 =	vor.u32 v3, v4  }
0x38: {  	v4 =	vperm.xlane v3, v0;
	_ =	sdelay $0x1  }
0x39: {  	v4 =	vadd.s32 v1, v4;
	_ =	sdelay $0x4  }
0x3a: {  	[hbm4b:s3+s2] =	stream.indirect_vreg.scatter [tilespmem:s30], [sflag:$0x1], $0x80, v4, vm0, $0xb8;
	[tilespmem:$0x10100] =	vst v63  }
0x3b: {  	v3 =	vperm.xlane v3, v2  }
0x3c: {  	[hbm4b:s5+s2] =	stream.indirect_vreg.scatter [tilespmem:s31], [sflag:$0x1], $0x80, v4, vm0, $0xb8;
	[tilespmem:$0x10100] =	vst v63  }
0x3d: {  	s4 =	simm.s32 $0x5100;
	v3 =	vadd.s32 v1, v3  }
0x3e: {  	[hbm4b:s6+s2] =	stream.indirect_vreg.scatter [tilespmem:s4], [sflag:$0x1], $0x80, v4, vm0, $0xb8;
	[tilespmem:$0x10100] =	vst v63  }
0x3f: {  	s4 =	simm.s32 $0x5900  }
0x40: {  	[hbm4b:s7+s2] =	stream.indirect_vreg.scatter [tilespmem:s4], [sflag:$0x1], $0x80, v4, vm0, $0xb8;
	[tilespmem:$0x10100] =	vst v63  }
0x41: {  	s4 =	simm.s32 $0x6100  }
0x42: {  	[hbm4b:s3+s2] =	stream.indirect_vreg.scatter [tilespmem:s4], [sflag:$0x1], $0x80, v3, vm0, $0xb8;
	[tilespmem:$0x10100] =	vst v63  }
0x43: {  	_ = 	snop  }
0x44: {  	[hbm4b:s5+s2] =	stream.indirect_vreg.scatter [tilespmem:s12], [sflag:$0x1], $0x80, v3, vm0, $0xb8;
	[tilespmem:$0x10100] =	vst v63  }
0x45: {  	_ = 	snop  }
0x46: {  	[hbm4b:s6+s2] =	stream.indirect_vreg.scatter [tilespmem:s13], [sflag:$0x1], $0x80, v3, vm0, $0xb8;
	[tilespmem:$0x10100] =	vst v63  }
0x47: {  	_ = 	snop  }
0x48: {  	[hbm4b:s7+s2] =	stream.indirect_vreg.scatter [tilespmem:s14], [sflag:$0x1], $0x80, v3, vm0, $0xb8;
	[tilespmem:$0x10100] =	vst v63  }
0x49: {  	v3 =	vld [tilespmem:$0x20];
	_ =	sdelay $0x4  }
0x4a: {  	v58 =	vshll.u32 v3, $0x3  }
0x4b: {  	v3 =	vand.u32 $0x7, v3;
	v4 =	vand.u32 $0xFFFFFFC0, v58  }
0x4c: {  	v3 =	vor.u32 v3, v4  }
0x4d: {  	v4 =	vperm.xlane v3, v0;
	_ =	sdelay $0x1  }
0x4e: {  	v4 =	vadd.s32 v1, v4;
	_ =	sdelay $0x4  }
0x4f: {  	[hbm4b:s3+s2] =	stream.indirect_vreg.scatter [tilespmem:s15], [sflag:$0x1], $0x80, v4, vm0, $0xb8;
	[tilespmem:$0x10100] =	vst v63  }
0x50: {  	v3 =	vperm.xlane v3, v2  }
0x51: {  	[hbm4b:s5+s2] =	stream.indirect_vreg.scatter [tilespmem:s16], [sflag:$0x1], $0x80, v4, vm0, $0xb8;
	[tilespmem:$0x10100] =	vst v63  }
0x52: {  	v3 =	vadd.s32 v1, v3  }
0x53: {  	[hbm4b:s6+s2] =	stream.indirect_vreg.scatter [tilespmem:s17], [sflag:$0x1], $0x80, v4, vm0, $0xb8;
	[tilespmem:$0x10100] =	vst v63  }
0x54: {  	_ = 	snop  }
0x55: {  	[hbm4b:s7+s2] =	stream.indirect_vreg.scatter [tilespmem:s18], [sflag:$0x1], $0x80, v4, vm0, $0xb8;
	[tilespmem:$0x10100] =	vst v63  }
0x56: {  	_ = 	snop  }
0x57: {  	[hbm4b:s3+s2] =	stream.indirect_vreg.scatter [tilespmem:s19], [sflag:$0x1], $0x80, v3, vm0, $0xb8;
	[tilespmem:$0x10100] =	vst v63  }
0x58: {  	_ = 	snop  }
0x59: {  	[hbm4b:s5+s2] =	stream.indirect_vreg.scatter [tilespmem:s20], [sflag:$0x1], $0x80, v3, vm0, $0xb8;
	[tilespmem:$0x10100] =	vst v63  }
0x5a: {  	_ = 	snop  }
0x5b: {  	[hbm4b:s6+s2] =	stream.indirect_vreg.scatter [tilespmem:s9], [sflag:$0x1], $0x80, v3, vm0, $0xb8;
	[tilespmem:$0x10100] =	vst v63  }
0x5c: {  	_ = 	snop  }
0x5d: {  	[hbm4b:s7+s2] =	stream.indirect_vreg.scatter [tilespmem:s10], [sflag:$0x1], $0x80, v3, vm0, $0xb8;
	[tilespmem:$0x10100] =	vst v63  }
0x5e: {  	v3 =	vld [tilespmem:$0x30];
	_ =	sdelay $0x4  }
0x5f: {  	v59 =	vshll.u32 v3, $0x3  }
0x60: {  	v3 =	vand.u32 $0x7, v3;
	v4 =	vand.u32 $0xFFFFFFC0, v59  }
0x61: {  	v3 =	vor.u32 v3, v4  }
0x62: {  	v4 =	vperm.xlane v3, v0;
	_ =	sdelay $0x1  }
0x63: {  	v4 =	vadd.s32 v1, v4;
	_ =	sdelay $0x3  }
0x64: {  	s0 =	simm.s32 $0xC100  }
0x65: {  	[hbm4b:s3+s2] =	stream.indirect_vreg.scatter [tilespmem:s0], [sflag:$0x1], $0x80, v4, vm0, $0xb8;
	[tilespmem:$0x10100] =	vst v63  }
0x66: {  	v3 =	vperm.xlane v3, v2;
	s0 =	simm.s32 $0xC900  }
0x67: {  	[hbm4b:s5+s2] =	stream.indirect_vreg.scatter [tilespmem:s0], [sflag:$0x1], $0x80, v4, vm0, $0xb8;
	[tilespmem:$0x10100] =	vst v63  }
0x68: {  	v3 =	vadd.s32 v1, v3;
	s0 =	simm.s32 $0xD100  }
0x69: {  	[hbm4b:s6+s2] =	stream.indirect_vreg.scatter [tilespmem:s0], [sflag:$0x1], $0x80, v4, vm0, $0xb8;
	[tilespmem:$0x10100] =	vst v63  }
0x6a: {  	s0 =	simm.s32 $0xD900  }
0x6b: {  	[hbm4b:s7+s2] =	stream.indirect_vreg.scatter [tilespmem:s0], [sflag:$0x1], $0x80, v4, vm0, $0xb8;
	[tilespmem:$0x10100] =	vst v63  }
0x6c: {  	s0 =	simm.s32 $0xE100  }
0x6d: {  	[hbm4b:s3+s2] =	stream.indirect_vreg.scatter [tilespmem:s0], [sflag:$0x1], $0x80, v3, vm0, $0xb8;
	[tilespmem:$0x10100] =	vst v63  }
0x6e: {  	s0 =	simm.s32 $0xE900  }
0x6f: {  	[hbm4b:s5+s2] =	stream.indirect_vreg.scatter [tilespmem:s0], [sflag:$0x1], $0x80, v3, vm0, $0xb8;
	[tilespmem:$0x10100] =	vst v63  }
0x70: {  	s0 =	simm.s32 $0xF100  }
0x71: {  	[hbm4b:s6+s2] =	stream.indirect_vreg.scatter [tilespmem:s0], [sflag:$0x1], $0x80, v3, vm0, $0xb8;
	[tilespmem:$0x10100] =	vst v63  }
0x72: {  	s0 =	simm.s32 $0xF900  }
0x73: {  	[hbm4b:s7+s2] =	stream.indirect_vreg.scatter [tilespmem:s0], [sflag:$0x1], $0x80, v3, vm0, $0xb8;
	[tilespmem:$0x10100] =	vst v63  }
0x74: {  	_ =	swait.ge [sflag:s21], $0x40  }
0x75: {  	[sflag:s21] =	ssyncset.done $0x0  }
0x76: {  	[sflag:s21] =	ssyncadd.s32 $0xFFFFFFC0  }
0x77: {  	v3 =	vld [tilespmem:$0x80];
	_ =	sdelay $0x4  }
0x78: {  	v60 =	vshll.u32 v3, $0x3  }
0x79: {  	v3 =	vand.u32 $0x7, v3;
	v4 =	vand.u32 $0xFFFFFFC0, v60  }
0x7a: {  	v3 =	vor.u32 v3, v4  }
0x7b: {  	v4 =	vperm.xlane v3, v0;
	_ =	sdelay $0x1  }
0x7c: {  	v4 =	vadd.s32 v1, v4;
	_ =	sdelay $0x4  }
0x7d: {  	[hbm4b:s3+s2] =	stream.indirect_vreg.scatter [tilespmem:s11], [sflag:$0x2], $0x80, v4, vm0, $0xb8;
	[tilespmem:$0x10100] =	vst v63  }
0x7e: {  	v3 =	vperm.xlane v3, v2  }
0x7f: {  	[hbm4b:s5+s2] =	stream.indirect_vreg.scatter [tilespmem:s22], [sflag:$0x2], $0x80, v4, vm0, $0xb8;
	[tilespmem:$0x10100] =	vst v63  }
0x80: {  	v3 =	vadd.s32 v1, v3  }
0x81: {  	[hbm4b:s6+s2] =	stream.indirect_vreg.scatter [tilespmem:s23], [sflag:$0x2], $0x80, v4, vm0, $0xb8;
	[tilespmem:$0x10100] =	vst v63  }
0x82: {  	_ = 	snop  }
0x83: {  	[hbm4b:s7+s2] =	stream.indirect_vreg.scatter [tilespmem:s24], [sflag:$0x2], $0x80, v4, vm0, $0xb8;
	[tilespmem:$0x10100] =	vst v63  }
0x84: {  	_ = 	snop  }
0x85: {  	[hbm4b:s3+s2] =	stream.indirect_vreg.scatter [tilespmem:s25], [sflag:$0x2], $0x80, v3, vm0, $0xb8;
	[tilespmem:$0x10100] =	vst v63  }
0x86: {  	_ = 	snop  }
0x87: {  	[hbm4b:s5+s2] =	stream.indirect_vreg.scatter [tilespmem:s26], [sflag:$0x2], $0x80, v3, vm0, $0xb8;
	[tilespmem:$0x10100] =	vst v63  }
0x88: {  	_ = 	snop  }
0x89: {  	[hbm4b:s6+s2] =	stream.indirect_vreg.scatter [tilespmem:s28], [sflag:$0x2], $0x80, v3, vm0, $0xb8;
	[tilespmem:$0x10100] =	vst v63  }
0x8a: {  	_ = 	snop  }
0x8b: {  	[hbm4b:s7+s2] =	stream.indirect_vreg.scatter [tilespmem:s29], [sflag:$0x2], $0x80, v3, vm0, $0xb8;
	[tilespmem:$0x10100] =	vst v63  }
0x8c: {  	v3 =	vld [tilespmem:$0x90];
	_ =	sdelay $0x4  }
0x8d: {  	v61 =	vshll.u32 v3, $0x3  }
0x8e: {  	v3 =	vand.u32 $0x7, v3;
	v4 =	vand.u32 $0xFFFFFFC0, v61  }
0x8f: {  	v3 =	vor.u32 v3, v4  }
0x90: {  	v4 =	vperm.xlane v3, v0;
	_ =	sdelay $0x1  }
0x91: {  	v4 =	vadd.s32 v1, v4;
	_ =	sdelay $0x4  }
0x92: {  	[hbm4b:s3+s2] =	stream.indirect_vreg.scatter [tilespmem:s30], [sflag:$0x2], $0x80, v4, vm0, $0xb8;
	[tilespmem:$0x10100] =	vst v63  }
0x93: {  	v3 =	vperm.xlane v3, v2  }
0x94: {  	[hbm4b:s5+s2] =	stream.indirect_vreg.scatter [tilespmem:s31], [sflag:$0x2], $0x80, v4, vm0, $0xb8;
	[tilespmem:$0x10100] =	vst v63  }
0x95: {  	s23 =	simm.s32 $0x5100;
	v3 =	vadd.s32 v1, v3  }
0x96: {  	[hbm4b:s6+s2] =	stream.indirect_vreg.scatter [tilespmem:s23], [sflag:$0x2], $0x80, v4, vm0, $0xb8;
	[tilespmem:$0x10100] =	vst v63  }
0x97: {  	s24 =	simm.s32 $0x5900  }
0x98: {  	[hbm4b:s7+s2] =	stream.indirect_vreg.scatter [tilespmem:s24], [sflag:$0x2], $0x80, v4, vm0, $0xb8;
	[tilespmem:$0x10100] =	vst v63  }
0x99: {  	_ = 	snop  }
0x9a: {  	[hbm4b:s3+s2] =	stream.indirect_vreg.scatter [tilespmem:s4], [sflag:$0x2], $0x80, v3, vm0, $0xb8;
	[tilespmem:$0x10100] =	vst v63  }
0x9b: {  	_ = 	snop  }
0x9c: {  	[hbm4b:s5+s2] =	stream.indirect_vreg.scatter [tilespmem:s12], [sflag:$0x2], $0x80, v3, vm0, $0xb8;
	[tilespmem:$0x10100] =	vst v63  }
0x9d: {  	_ = 	snop  }
0x9e: {  	[hbm4b:s6+s2] =	stream.indirect_vreg.scatter [tilespmem:s13], [sflag:$0x2], $0x80, v3, vm0, $0xb8;
	[tilespmem:$0x10100] =	vst v63  }
0x9f: {  	_ = 	snop  }
0xa0: {  	[hbm4b:s7+s2] =	stream.indirect_vreg.scatter [tilespmem:s14], [sflag:$0x2], $0x80, v3, vm0, $0xb8;
	[tilespmem:$0x10100] =	vst v63  }
0xa1: {  	v3 =	vld [tilespmem:$0xA0];
	_ =	sdelay $0x4  }
0xa2: {  	v62 =	vshll.u32 v3, $0x3  }
0xa3: {  	v3 =	vand.u32 $0x7, v3;
	v4 =	vand.u32 $0xFFFFFFC0, v62  }
0xa4: {  	v3 =	vor.u32 v3, v4  }
0xa5: {  	v4 =	vperm.xlane v3, v0;
	_ =	sdelay $0x1  }
0xa6: {  	v4 =	vadd.s32 v1, v4;
	_ =	sdelay $0x4  }
0xa7: {  	[hbm4b:s3+s2] =	stream.indirect_vreg.scatter [tilespmem:s15], [sflag:$0x2], $0x80, v4, vm0, $0xb8;
	[tilespmem:$0x10100] =	vst v63  }
0xa8: {  	v3 =	vperm.xlane v3, v2  }
0xa9: {  	[hbm4b:s5+s2] =	stream.indirect_vreg.scatter [tilespmem:s16], [sflag:$0x2], $0x80, v4, vm0, $0xb8;
	[tilespmem:$0x10100] =	vst v63  }
0xaa: {  	v3 =	vadd.s32 v1, v3  }
0xab: {  	[hbm4b:s6+s2] =	stream.indirect_vreg.scatter [tilespmem:s17], [sflag:$0x2], $0x80, v4, vm0, $0xb8;
	[tilespmem:$0x10100] =	vst v63  }
0xac: {  	_ = 	snop  }
0xad: {  	[hbm4b:s7+s2] =	stream.indirect_vreg.scatter [tilespmem:s18], [sflag:$0x2], $0x80, v4, vm0, $0xb8;
	[tilespmem:$0x10100] =	vst v63  }
0xae: {  	_ = 	snop  }
0xaf: {  	[hbm4b:s3+s2] =	stream.indirect_vreg.scatter [tilespmem:s19], [sflag:$0x2], $0x80, v3, vm0, $0xb8;
	[tilespmem:$0x10100] =	vst v63  }
0xb0: {  	_ = 	snop  }
0xb1: {  	[hbm4b:s5+s2] =	stream.indirect_vreg.scatter [tilespmem:s20], [sflag:$0x2], $0x80, v3, vm0, $0xb8;
	[tilespmem:$0x10100] =	vst v63  }
0xb2: {  	_ = 	snop  }
0xb3: {  	[hbm4b:s6+s2] =	stream.indirect_vreg.scatter [tilespmem:s9], [sflag:$0x2], $0x80, v3, vm0, $0xb8;
	[tilespmem:$0x10100] =	vst v63  }
0xb4: {  	_ = 	snop  }
0xb5: {  	[hbm4b:s7+s2] =	stream.indirect_vreg.scatter [tilespmem:s10], [sflag:$0x2], $0x80, v3, vm0, $0xb8;
	[tilespmem:$0x10100] =	vst v63  }
0xb6: {  	v3 =	vld [tilespmem:$0xB0];
	_ =	sdelay $0x4  }
0xb7: {  	v63 =	vshll.u32 v3, $0x3  }
0xb8: {  	v3 =	vand.u32 $0x7, v3;
	v4 =	vand.u32 $0xFFFFFFC0, v63  }
0xb9: {  	v3 =	vor.u32 v3, v4  }
0xba: {  	v4 =	vperm.xlane v3, v0;
	_ =	sdelay $0x1  }
0xbb: {  	v4 =	vadd.s32 v1, v4;
	_ =	sdelay $0x3  }
0xbc: {  	s22 =	simm.s32 $0xC100  }
0xbd: {  	[hbm4b:s3+s2] =	stream.indirect_vreg.scatter [tilespmem:s22], [sflag:$0x2], $0x80, v4, vm0, $0xb8;
	[tilespmem:$0x10100] =	vst v63  }
0xbe: {  	s23 =	simm.s32 $0xC900;
	v3 =	vperm.xlane v3, v2  }
0xbf: {  	[hbm4b:s5+s2] =	stream.indirect_vreg.scatter [tilespmem:s23], [sflag:$0x2], $0x80, v4, vm0, $0xb8;
	[tilespmem:$0x10100] =	vst v63  }
0xc0: {  	s24 =	simm.s32 $0xD100;
	v3 =	vadd.s32 v1, v3  }
0xc1: {  	[hbm4b:s6+s2] =	stream.indirect_vreg.scatter [tilespmem:s24], [sflag:$0x2], $0x80, v4, vm0, $0xb8;
	[tilespmem:$0x10100] =	vst v63  }
0xc2: {  	s11 =	simm.s32 $0xD900  }
0xc3: {  	[hbm4b:s7+s2] =	stream.indirect_vreg.scatter [tilespmem:s11], [sflag:$0x2], $0x80, v4, vm0, $0xb8;
	[tilespmem:$0x10100] =	vst v63  }
0xc4: {  	s22 =	simm.s32 $0xE100  }
0xc5: {  	[hbm4b:s3+s2] =	stream.indirect_vreg.scatter [tilespmem:s22], [sflag:$0x2], $0x80, v3, vm0, $0xb8;
	[tilespmem:$0x10100] =	vst v63  }
0xc6: {  	s23 =	simm.s32 $0xE900  }
0xc7: {  	[hbm4b:s5+s2] =	stream.indirect_vreg.scatter [tilespmem:s23], [sflag:$0x2], $0x80, v3, vm0, $0xb8;
	[tilespmem:$0x10100] =	vst v63  }
0xc8: {  	s24 =	simm.s32 $0xF100  }
0xc9: {  	[hbm4b:s6+s2] =	stream.indirect_vreg.scatter [tilespmem:s24], [sflag:$0x2], $0x80, v3, vm0, $0xb8;
	[tilespmem:$0x10100] =	vst v63  }
0xca: {  	_ = 	snop  }
0xcb: {  	[hbm4b:s7+s2] =	stream.indirect_vreg.scatter [tilespmem:s0], [sflag:$0x2], $0x80, v3, vm0, $0xb8;
	[tilespmem:$0x10100] =	vst v63  }
0xcc: {  	p0 =	sne.s32 s8, $0x1;
	_ =	swait.ge [sflag:s1], $0x10000  }
.Ltmp0:
0xcd: {  	[sflag:s1] =	ssyncset.done $0x0;
	(pc) =	sbr.rel @p0 .LBB2_1-.Ltmp0, $4  }
0xce: {  	[sflag:s1] =	ssyncadd.s32 $0xFFFF0000  }
0xcf: {  	_ =	swait.ge [sflag:s21], $0x10000  }
0xd0: {  	[sflag:s21] =	ssyncset.done $0x0  }
0xd1: {  	s8 =	sadd.s32 $0xFFFFFFFF, s8;
	[sflag:s21] =	ssyncadd.s32 $0xFFFF0000  }
0xd2: {  	_ =	sfence.sel $0x180000  }
0xd3: {  	[bflag:$0x0] =	sbarrier.arrive $0xFFFF  }
0xd4: {  	_ =	strace $0x90000047  }
0xd5: {  	s0 =	stileid.u32;
	[bflag:$0x2] =	sbarrier.arrive $0xFFFF  }
0xd6: {  	p0 =	sne.s32 s0, $0x0;
	s0 =	rddreg [dreg:$0x2]  }
0xd7: {  	s0 =	sadd.s32 @!p0 $0x100000, s0  }
0xd8: {  	[sflag:s0] =	ssyncadd.tile.s32 @!p0 $0x1;
	_ =	shalt  }
.Lfunc_end2:
_tile_overlayer_lowered:
.L_overlay_start_2:
0xd9: {  	(tag) =	ssettag $0x2  }
0xda: {  	s0 =	rddreg [dreg:$0x0];
	s2 =	stileid.u32  }
0xdb: {  	s1 =	rddreg [dreg:$0x1];
	p0 =	sne.s32 s2, $0x0  }
0xdc: {  	s3 =	rddreg [dreg:$0x2];
	[bflag:$0x3] =	sbarrier.arrive $0xFFFF;
	s2 =	simm.s32 @!p0 $0x1C04  }
0xdd: {  	[timem:s3], [sflag:s2] =	dma.local @!p0 [hbm:s0], s1  }
0xde: {  	s0 =	simm.s32 @!p0 $0x4  }
0xdf: {  	_ =	swait.ge @!p0 [sflag:s0], s1  }
0xe0: {  	s1 =	ssub.s32 @!p0 $0x0, s1;
	[sflag:s0] =	ssyncset.done @!p0 $0x0  }
0xe1: {  	[sflag:s0] =	ssyncadd.s32 @!p0 s1  }
0xe2: {  	[bflag:$0x3] =	sbarrier.arrive $0xFFFF  }
0xe3: {  	_ =	shalt  }

// kernel: kernel.8.cloned.1.call-start
scs
__scs_entry_jumppad:
0x0: {  	(pc) =	sbr.rel $0x88, $3  }
0x1: {  	(tag) =	ssettag $0x0;
	lr =	simm.s32 $0x1  }
0x2: {  	[smem:$0x3F9E] =	sst lr;
	_ =	strace $0xD0000000  }
0x3: {  	_ = 	snop  }
0x4: {  	_ = 	snop  }
0x5: {  	_ = 	snop  }
0x6: {  	_ = 	snop  }
0x7: {  	_ = 	snop  }
__scs_overlays_trampoline_lowered:
0x8: {  	[smem:$0x3FAD] =	sst s0  }
0x9: {  	[smem:$0x3FAE] =	sst s1  }
0xa: {  	[smem:$0x3FAF] =	sst s2  }
0xb: {  	[smem:$0x3FB0] =	sst s3  }
0xc: {  	[smem:$0x3FB1] =	sst s4  }
0xd: {  	[smem:$0x3FB2] =	sst s5  }
0xe: {  	[smem:$0x3FB3] =	sst s6  }
0xf: {  	[smem:$0x3FB4] =	sst s7  }
0x10: {  	[smem:$0x3FB5] =	sst s8  }
0x11: {  	[smem:$0x3FB6] =	sst s9;
	s0 =	simm.s32 @!p0 $0x0  }
0x12: {  	s1 =	sld [smem:$0x3F9C];
	s0 =	simm.s32 @p0 $0x1  }
0x13: {  	[smem:$0x3FB7] =	sst s0;
	s0 =	simm.s32 @!p1 $0x0  }
0x14: {  	s2 =	sld [smem:$0x3F9B];
	s0 =	simm.s32 @p1 $0x1  }
0x15: {  	[smem:$0x3FB8] =	sst s0;
	s0 =	simm.s32 @!p2 $0x0  }
0x16: {  	s3 =	sld [smem:$0x3FDB];
	s0 =	simm.s32 @p2 $0x1  }
0x17: {  	s4 =	simm.s32 $0x1BF5;
	[smem:$0x3FBA] =	sst s0  }
0x18: {  	s0 =	sld [smem:$0x3F9D];
	_ =	swait.ge [sflag:s4], $0x0  }
0x19: {  	s7 =	sld [smem:$0x3F9E]  }
0x1a: {  	s8 =	sadd.s32 $0xFFFFE003, lr  }
0x1b: {  	s9 =	sadd.s32 $0xFFFFFEF7, lr;
	s5 =	simm.s32 $0xFFFFFFFF;
	p2 =	slt.u32 s8, $0xFFFFF086  }
0x1c: {  	p1 =	slt.u32 s9, $0xF7A;
	s5 =	simm.s32 @!p2 $0x0  }
0x1d: {  	s5 =	simm.s32 @p1 $0x1;
	p0 =	seq.s32 s7, s2  }
0x1e: {  	s7 =	smul.u32 @!p0 $0xF7A, s2;
	p2 =	seq.s32 @!p0 s5, $0x0  }
0x1f: {  	s9 =	smul.u32 $0xF7A, s1;
	s8 =	simm.s32 @!p0 $0x1BF5;
	p2 =	por !p2, p0  }
0x20: {  	[sflag:s8] =	ssyncset.s32 @!p0 $0xFFFFF086;
	s6 =	sadd.s32 @!p0 s3, s7;
	s7 =	simm.s32 @!p0 $0x108  }
0x21: {  	s3 =	sadd.s32 s3, s9;
	s6 =	sadd.s32 @!p0 $0x88, s6;
	s7 =	simm.s32 @p2 $0x1082  }
0x22: {  	[simem:s7], [sflag:s8] =	dma.local @!p0 [hbm:s6], $0xF7A  }
0x23: {  	s9 =	sor.u32 $0xD0000000, s2;
	s6 =	simm.s32 $0x108;
	_ =	swait.ge @!p0 [sflag:s8], $0x0  }
0x24: {  	s3 =	sadd.s32 $0x88, s3;
	s6 =	simm.s32 @!p1 $0x1082;
	[sflag:s4] =	ssyncset.s32 $0xFFFFF086  }
0x25: {  	[simem:s6], [sflag:s4] =	dma.local [hbm:s3], $0xF7A  }
0x26: {  	[smem:$0x3F9E] =	sst s1;
	(tag) =	ssettag s2;
	_ =	strace s9  }
0x27: {  	s1 =	sld [smem:$0x3FAE]  }
0x28: {  	s2 =	sld [smem:$0x3FAF]  }
0x29: {  	s4 =	sld [smem:$0x3FB1]  }
0x2a: {  	p0 =	seq.s32 s5, $0x0;
	s5 =	sld [smem:$0x3FB2]  }
0x2b: {  	s6 =	sld [smem:$0x3FB3]  }
0x2c: {  	s7 =	sld [smem:$0x3FB4]  }
0x2d: {  	s3 =	simm.s32 $0x108;
	s8 =	sld [smem:$0x3FB5]  }
0x2e: {  	s3 =	simm.s32 @!p0 $0x1082;
	s9 =	sld [smem:$0x3FB6]  }
0x2f: {  	lr =	sadd.s32 s0, s3;
	s0 =	sld [smem:$0x3FAD]  }
0x30: {  	s3 =	sld [smem:$0x3FB0]  }
0x31: {  	[smem:$0x3FB9] =	sst s10  }
0x32: {  	s10 =	sld [smem:$0x3FB7];
	_ =	sdelay $0x3  }
0x33: {  	p0 =	seq.s32 s10, $0x1;
	s10 =	sld [smem:$0x3FB9];
	_ =	sdelay $0x3  }
0x34: {  	[smem:$0x3FB9] =	sst s10  }
0x35: {  	s10 =	sld [smem:$0x3FB8];
	_ =	sdelay $0x3  }
0x36: {  	p1 =	seq.s32 s10, $0x1;
	s10 =	sld [smem:$0x3FB9];
	_ =	sdelay $0x3  }
0x37: {  	[smem:$0x3FB9] =	sst s10  }
0x38: {  	s10 =	sld [smem:$0x3FBA]  }
0x39: {  	_ = 	snop;
	(pc) =	sbr.ind lr, $3  }
0x3a: {  	_ = 	snop  }
0x3b: {  	_ = 	snop  }
0x3c: {  	p2 =	seq.s32 s10, $0x1;
	s10 =	sld [smem:$0x3FB9]  }
0x3d: {  	_ =	shalt  }
0x3e: {  	_ =	shalt  }
0x3f: {  	_ =	shalt  }
0x40: {  	_ =	shalt  }
0x41: {  	_ =	shalt  }
0x42: {  	_ =	shalt  }
0x43: {  	_ =	shalt  }
0x44: {  	_ =	shalt  }
0x45: {  	_ =	shalt  }
0x46: {  	_ =	shalt  }
0x47: {  	_ =	shalt  }
0x48: {  	_ =	shalt  }
0x49: {  	_ =	shalt  }
0x4a: {  	_ =	shalt  }
0x4b: {  	_ =	shalt  }
0x4c: {  	_ =	shalt  }
0x4d: {  	_ =	shalt  }
0x4e: {  	_ =	shalt  }
0x4f: {  	_ =	shalt  }
0x50: {  	_ =	shalt  }
0x51: {  	_ =	shalt  }
0x52: {  	_ =	shalt  }
0x53: {  	_ =	shalt  }
0x54: {  	_ =	shalt  }
0x55: {  	_ =	shalt  }
0x56: {  	_ =	shalt  }
0x57: {  	_ =	shalt  }
0x58: {  	_ =	shalt  }
0x59: {  	_ =	shalt  }
0x5a: {  	_ =	shalt  }
0x5b: {  	_ =	shalt  }
0x5c: {  	_ =	shalt  }
0x5d: {  	_ =	shalt  }
0x5e: {  	_ =	shalt  }
0x5f: {  	_ =	shalt  }
0x60: {  	_ =	shalt  }
0x61: {  	_ =	shalt  }
0x62: {  	_ =	shalt  }
0x63: {  	_ =	shalt  }
0x64: {  	_ =	shalt  }
0x65: {  	_ =	shalt  }
0x66: {  	_ =	shalt  }
0x67: {  	_ =	shalt  }
0x68: {  	_ =	shalt  }
0x69: {  	_ =	shalt  }
0x6a: {  	_ =	shalt  }
0x6b: {  	_ =	shalt  }
0x6c: {  	_ =	shalt  }
0x6d: {  	_ =	shalt  }
0x6e: {  	_ =	shalt  }
0x6f: {  	_ =	shalt  }
0x70: {  	_ =	shalt  }
0x71: {  	_ =	shalt  }
0x72: {  	_ =	shalt  }
0x73: {  	_ =	shalt  }
0x74: {  	_ =	shalt  }
0x75: {  	_ =	shalt  }
0x76: {  	_ =	shalt  }
0x77: {  	_ =	shalt  }
0x78: {  	_ =	shalt  }
0x79: {  	_ =	shalt  }
0x7a: {  	_ =	shalt  }
0x7b: {  	_ =	shalt  }
0x7c: {  	_ =	shalt  }
0x7d: {  	_ =	shalt  }
0x7e: {  	_ =	shalt  }
0x7f: {  	_ =	shalt  }
0x80: {  	_ =	shalt  }
0x81: {  	_ =	shalt  }
0x82: {  	_ =	shalt  }
0x83: {  	_ =	shalt  }
0x84: {  	_ =	shalt  }
0x85: {  	_ =	shalt  }
0x86: {  	_ =	shalt  }
0x87: {  	_ =	shalt  }
.Lfunc_end0:
.L_simem_size_0:
called_computation.1_lowered:
.L_overlay_start_0:
0x88: {  	s2 =	sld [smem:$0x3FD9]  }
0x89: {  	s3 =	sld [smem:$0x3FFE];
	_ =	sdelay $0x1  }
0x8a: {  	s1 =	srdreg.scid  }
0x8b: {  	s0 =	sand.u32 $0x1, s1  }
0x8c: {  	s14 =	sshll.u32 s0, $0xA;
	s2 =	sadd.s32 s3, s2  }
0x8d: {  	s2 =	sadd.s32 s2, s14  }
0x8e: {  	[smem:$0x3FC5] =	sst s2  }
0x8f: {  	_ = 	snop  }
0x90: {  	s2 =	sld [smem:$0x3FD0];
	_ =	sdelay $0x2  }
0x91: {  	s15 =	simm.s32 $0xA;
	s4 =	simm.s32 $0x10  }
0x92: {  	[smem:s4], [sflag:s15] =	dma.local [hbm:s2], $0x1  }
0x93: {  	_ =	swait.eq [sflag:s15], $0x1  }
0x94: {  	[sflag:s15] =	ssyncset.done $0x0  }
0x95: {  	[sflag:s15] =	ssyncadd.s32 $0xFFFFFFFF  }
0x96: {  	s16 =	sld [smem:$0x10];
	(tm) =	ssettm $0x1  }
0x97: {  	s17 =	sld [smem:$0x3FFB];
	_ =	sdelay $0x3  }
0x98: {  	_ =	strace s17  }
0x99: {  	s3 =	sld [smem:$0x3FFC];
	_ =	sdelay $0x3  }
0x9a: {  	_ =	strace s3  }
0x9b: {  	s3 =	sld [smem:$0x3FFD];
	_ =	sdelay $0x3  }
0x9c: {  	_ =	strace s3  }
0x9d: {  	_ =	strace $0x8FFFFFFF  }
0x9e: {  	s18 =	sld [smem:$0x3FDB];
	_ =	sdelay $0x1  }
0x9f: {  	s19 =	simm.s32 $_scs_section_size  }
0xa0: {  	s5 =	simm.s32 $_size__tile_overlayer_lowered;
	s6 =	simm.s32 $_tile_overlayer_lowered  }
0xa1: {  	s22 =	simm.s32 $0x1BFF;
	s21 =	sshll.u32 s6, $0x1;
	s3 =	sadd.s32 s19, s18  }
0xa2: {  	s7 =	simm.s32 $0x0;
	s20 =	sshll.u32 s5, $0x1;
	s5 =	sadd.s32 s21, s3  }
0xa3: {  	[timem:s7], [sflag:s22] =	dma.local [hbm:s5], s20  }
0xa4: {  	_ =	swait.ge [sflag:s22], s20  }
0xa5: {  	s4 =	ssub.s32 $0x0, s20;
	[sflag:s22] =	ssyncset.done $0x0  }
0xa6: {  	[sflag:s22] =	ssyncadd.s32 s4;
	_ =	sdelay $0x1  }
0xa7: {  	s23 =	simm.s32 $0x1B8B  }
0xa8: {  	_ =	swait.ge [sflag:s23], $0x1  }
0xa9: {  	[sflag:s23] =	ssyncset.done $0x0  }
0xaa: {  	s25 =	simm.s32 $0x1B8E;
	s24 =	sld [smem:$0x3FFE];
	[sflag:s23] =	ssyncadd.s32 $0xFFFFFFFF  }
0xab: {  	s26 =	simm.s32 $execute0_lowered;
	[smem:$0x3FD2] =	sst s25  }
0xac: {  	s5 =	sshll.u32 s26, $0x1;
	_ =	strace $0x80000049;
	[dreg:$0x1] =	wrdreg $0xFFFFFFFF  }
0xad: {  	s28 =	simm.s32 $_size_execute0_lowered;
	s3 =	sadd.s32 s3, s5;
	[dreg:$0x0] =	wrdreg $0x0  }
0xae: {  	s5 =	sshll.u32 s28, $0x1;
	[dreg:$0x2] =	wrdreg s3  }
0xaf: {  	[dreg:$0x3] =	wrdreg s5  }
0xb0: {  	[dreg:$0x4] =	wrdreg $0xC0  }
0xb1: {  	_ =	task [dreg:s7], $0x5FFFF  }
0xb2: {  	[dreg:$0x1] =	wrdreg $0xFFFFFFFF  }
0xb3: {  	[dreg:$0x0] =	wrdreg $0x60  }
0xb4: {  	[dreg:$0x2] =	wrdreg s24  }
0xb5: {  	[dreg:$0x3] =	wrdreg s16  }
0xb6: {  	[dreg:$0x4] =	wrdreg $0x9  }
0xb7: {  	_ =	task.clear_ibuf [dreg:s7], $0x5FFFF;
	_ =	strace $0x90000049  }
0xb8: {  	s29 =	simm.s32 $0x9;
	_ =	strace $0x8000004B  }
0xb9: {  	_ =	swait.ge [sflag:s29], $0x1  }
0xba: {  	[sflag:s29] =	ssyncadd.s32 $0xFFFFFFFF  }
0xbb: {  	_ =	strace $0x9000004B  }
0xbc: {  	_ =	sfence  }
0xbd: {  	s30 =	sld [smem:$0x0];
	_ =	sdelay $0x2  }
0xbe: {  	s31 =	sshll.u32 s1, $0xD;
	s1 =	sshrl.u32 s1, $0x2  }
0xbf: {  	s3 =	sand.u32 $0x4000, s31;
	s1 =	sadd.s32 s1, s30  }
0xc0: {  	s0 =	sor.u32 s3, s0;
	s1 =	sshll.u32 s1, $0x11  }
0xc1: {  	s0 =	sor.u32 s1, s0  }
0xc2: {  	s0 =	sadd.s32 $0x8F2B, s0  }
0xc3: {  	[sflag:s0] =	ssyncadd.remote.s32 $0x1  }
0xc4: {  	_ =	sfence.sel $0xFFFF  }
0xc5: {  	[dreg:$0x0] =	wrdreg $0xFFFFFFFF;
	(pc) =	sbr.abs _section_cstart, $3  }
0xc6: {  	[dreg:$0x1] =	wrdreg $0xFFFFFFFF  }
0xc7: {  	_ =	task.clear_ibuf [dreg:s7], $0x2FFFF;
	_ =	strace $0x9FFFFFFF  }
0xc8: {  	(tm) =	ssettm $0x7FFFFFFF  }
0xc9: {  	_ =	shalt  }
tec
execute0_lowered:
.L_overlay_start_1:
0x0: {  	(tag) =	ssettag $0x1  }
0x1: {  	s0 =	rddreg [dreg:$0x0]  }
0x2: {  	s2 =	rddreg [dreg:$0x1];
	s1 =	simm.s32 $0x0;
	s4 =	srdreg.scid  }
0x3: {  	s6 =	stileid.u32;
	s28 =	simm.s32 $0x1;
	s29 =	simm.s32 $0x400  }
0x4: {  	s30 =	simm.s32 $0x7C00;
	s31 =	simm.s32 $0xCC00;
	[smem:$0x7FF] =	sst s1  }
0x5: {  	s3 =	sadd.s32 $0x400, s0;
	s4 =	sand.u32 $0x1, s4;
	s6 =	sshll.u32 s6, $0x7  }
0x6: {  	s7 =	sadd.s32 $0x200, s0;
	s5 =	ssub.s32 $0x2, s4;
	s4 =	sshll.u32 s4, $0x6  }
0x7: {  	s13 =	sadd.s32 $0x600, s0;
	s8 =	sshrl.u32 s5, $0x1;
	s4 =	sor.u32 s4, s6  }
0x8: {  	_ =	strace $0x8000004A;
	s5 =	ssub.s32 s5, s8;
	s6 =	sshrl.u32 s4, $0x3  }
0x9: {  	s26 =	sor.u32 $0x10, s4;
	s16 =	sor.u32 $0x20, s4;
	s10 =	sor.u32 $0x30, s4  }
0xa: {  	s4 =	sshll.u32 s4, $0x7;
	s8 =	simm.s32 $0x4400;
	s9 =	sadd.s32 s7, s6  }
0xb: {  	s6 =	sadd.s32 s0, s6;
	s14 =	sshrl.u32 s26, $0x3;
	s17 =	sshrl.u32 s16, $0x3  }
0xc: {  	s11 =	sshrl.u32 s10, $0x3;
	s20 =	sadd.s32 s2, s4;
	s21 =	sshll.u32 s26, $0x7  }
0xd: {  	s22 =	sshll.u32 s16, $0x7;
	s23 =	sshll.u32 s10, $0x7;
	[dreg:$0x3] =	wrdreg s9  }
0xe: {  	s26 =	smax.u32 s5, $0x1;
	s4 =	simm.s32 $0x5;
	[dreg:$0x4] =	wrdreg s6  }
0xf: {  	s5 =	simm.s32 $0x7;
	s15 =	sadd.s32 s7, s14;
	[dreg:$0xb] =	wrdreg s20  }
0x10: {  	s6 =	sadd.s32 s0, s14;
	s12 =	sadd.s32 s7, s17;
	[dreg:$0xf] =	wrdreg s26  }
0x11: {  	s18 =	sadd.s32 s7, s11;
	s19 =	sadd.s32 s0, s11;
	[dreg:$0x5] =	wrdreg s15  }
0x12: {  	s14 =	sadd.s32 $0x700, s0;
	s24 =	sadd.s32 s2, s22;
	[dreg:$0x6] =	wrdreg s6  }
0x13: {  	s25 =	sadd.s32 s2, s23;
	s20 =	simm.s32 $0xEC00;
	[dreg:$0x7] =	wrdreg s12  }
0x14: {  	s22 =	simm.s32 $0xFC00;
	s23 =	simm.s32 $0x2;
	[dreg:$0x9] =	wrdreg s18  }
0x15: {  	s26 =	simm.s32 $0x3;
	s6 =	sadd.s32 s0, s17;
	[dreg:$0xa] =	wrdreg s19  }
0x16: {  	s12 =	sadd.s32 $0x500, s0;
	s0 =	sadd.s32 s2, s21;
	[dreg:$0xd] =	wrdreg s24  }
0x17: {  	[dreg:$0xe] =	wrdreg s25;
	s17 =	simm.s32 $0x7400;
	s18 =	simm.s32 $0xC400  }
0x18: {  	v2 =	vlaneseq.u32;
	s19 =	simm.s32 $0xD400;
	s2 =	simm.s32 $0xE400;
	s21 =	simm.s32 $0xF400  }
0x19: {  	vm0 =	vmmov $0xffff;
	v1 =	vshrl.u32 v2, $0x3;
	s24 =	simm.s32 $0x4;
	s25 =	simm.s32 $0x6;
	[dreg:$0x8] =	wrdreg s6  }
0x1a: {  	v0 =	vand.u32 $0x7, v2;
	v2 =	vor.u32 $0x8, v2;
	v1 =	vmul.u32 $0x8, v1;
	[dreg:$0xc] =	wrdreg s0;
	s0 =	simm.s32 $0xDC00;
	s6 =	simm.s32 $0x0  }
.LBB2_1:
0x1b: {  	s7 =	rddreg [dreg:$0x3]  }
0x1c: {  	[tilespmem:s1], [sflag:$0x1] =	stream.linear.gather [hbm4b:s7+s1], $0x10, $0x38;
	[tilespmem:$0x10400] =	vst v63  }
0x1d: {  	s16 =	rddreg [dreg:$0x4];
	s9 =	simm.s32 $0x200  }
0x1e: {  	[tilespmem:s9], [sflag:$0x1] =	stream.linear.gather [hbm4b:s16+s1], $0x10, $0x38;
	[tilespmem:$0x10400] =	vst v63  }
0x1f: {  	s10 =	rddreg [dreg:$0x5];
	s11 =	simm.s32 $0x80  }
0x20: {  	[tilespmem:s11], [sflag:$0x1] =	stream.linear.gather [hbm4b:s10+s1], $0x10, $0x38;
	[tilespmem:$0x10400] =	vst v63  }
0x21: {  	s15 =	rddreg [dreg:$0x6];
	s16 =	simm.s32 $0x280  }
0x22: {  	[tilespmem:s16], [sflag:$0x1] =	stream.linear.gather [hbm4b:s15+s1], $0x10, $0x38;
	[tilespmem:$0x10400] =	vst v63  }
0x23: {  	s10 =	rddreg [dreg:$0x7];
	s11 =	simm.s32 $0x100  }
0x24: {  	[tilespmem:s11], [sflag:$0x1] =	stream.linear.gather [hbm4b:s10+s1], $0x10, $0x38;
	[tilespmem:$0x10400] =	vst v63  }
0x25: {  	s15 =	rddreg [dreg:$0x8];
	s16 =	simm.s32 $0x300  }
0x26: {  	[tilespmem:s16], [sflag:$0x1] =	stream.linear.gather [hbm4b:s15+s1], $0x10, $0x38;
	[tilespmem:$0x10400] =	vst v63  }
0x27: {  	s10 =	rddreg [dreg:$0x9];
	s11 =	simm.s32 $0x180  }
0x28: {  	[tilespmem:s11], [sflag:$0x1] =	stream.linear.gather [hbm4b:s10+s1], $0x10, $0x38;
	[tilespmem:$0x10400] =	vst v63  }
0x29: {  	s15 =	rddreg [dreg:$0xa];
	s16 =	simm.s32 $0x380  }
0x2a: {  	[tilespmem:s16], [sflag:$0x1] =	stream.linear.gather [hbm4b:s15+s1], $0x10, $0x38;
	[tilespmem:$0x10400] =	vst v63  }
0x2b: {  	_ =	swait.ge [sflag:s28], $0x10  }
0x2c: {  	[sflag:s28] =	ssyncset.done $0x0  }
0x2d: {  	[sflag:s28] =	ssyncadd.s32 $0xFFFFFFF0  }
0x2e: {  	_ =	swait.ge [sflag:s28], $0x10  }
0x2f: {  	[sflag:s28] =	ssyncset.done $0x0  }
0x30: {  	[sflag:s28] =	ssyncadd.s32 $0xFFFFFFF0  }
0x31: {  	_ =	swait.ge [sflag:s28], $0x10  }
0x32: {  	[sflag:s28] =	ssyncset.done $0x0  }
0x33: {  	[sflag:s28] =	ssyncadd.s32 $0xFFFFFFF0  }
0x34: {  	_ =	swait.ge [sflag:s28], $0x10  }
0x35: {  	[sflag:s28] =	ssyncset.done $0x0  }
0x36: {  	[sflag:s28] =	ssyncadd.s32 $0xFFFFFFF0  }
0x37: {  	_ =	swait.ge [sflag:s28], $0x10  }
0x38: {  	[sflag:s28] =	ssyncset.done $0x0  }
0x39: {  	[sflag:s28] =	ssyncadd.s32 $0xFFFFFFF0  }
0x3a: {  	_ =	swait.ge [sflag:s28], $0x10  }
0x3b: {  	[sflag:s28] =	ssyncset.done $0x0  }
0x3c: {  	[sflag:s28] =	ssyncadd.s32 $0xFFFFFFF0  }
0x3d: {  	_ =	swait.ge [sflag:s28], $0x10  }
0x3e: {  	[sflag:s28] =	ssyncset.done $0x0  }
0x3f: {  	[sflag:s28] =	ssyncadd.s32 $0xFFFFFFF0  }
0x40: {  	_ =	swait.ge [sflag:s28], $0x10  }
0x41: {  	[sflag:s28] =	ssyncset.done $0x0  }
0x42: {  	[sflag:s28] =	ssyncadd.s32 $0xFFFFFFF0  }
0x43: {  	v3 =	vld [tilespmem:$0x0];
	_ =	sdelay $0x4  }
0x44: {  	v4 =	vshll.u32 v3, $0x3  }
0x45: {  	v3 =	vand.u32 $0x7, v3;
	v4 =	vand.u32 $0xFFFFFFC0, v4  }
0x46: {  	v3 =	vor.u32 v3, v4  }
0x47: {  	v4 =	vperm.xlane v3, v0;
	_ =	sdelay $0x1  }
0x48: {  	v4 =	vadd.s32 v1, v4;
	_ =	sdelay $0x4  }
0x49: {  	[tilespmem:s29], [sflag:$0x2] =	stream.indirect_vreg.gather [hbm4b:s3+s1], $0x80, v4, vm0, $0xb8;
	[tilespmem:$0x10400] =	vst v63  }
0x4a: {  	s9 =	simm.s32 $0xC00;
	v3 =	vperm.xlane v3, v2  }
0x4b: {  	[tilespmem:s9], [sflag:$0x2] =	stream.indirect_vreg.gather [hbm4b:s12+s1], $0x80, v4, vm0, $0xb8;
	[tilespmem:$0x10400] =	vst v63  }
0x4c: {  	s10 =	simm.s32 $0x1400;
	v3 =	vadd.s32 v1, v3  }
0x4d: {  	[tilespmem:s10], [sflag:$0x2] =	stream.indirect_vreg.gather [hbm4b:s13+s1], $0x80, v4, vm0, $0xb8;
	[tilespmem:$0x10400] =	vst v63  }
0x4e: {  	s11 =	simm.s32 $0x1C00  }
0x4f: {  	[tilespmem:s11], [sflag:$0x2] =	stream.indirect_vreg.gather [hbm4b:s14+s1], $0x80, v4, vm0, $0xb8;
	[tilespmem:$0x10400] =	vst v63  }
0x50: {  	s15 =	simm.s32 $0x2400  }
0x51: {  	[tilespmem:s15], [sflag:$0x2] =	stream.indirect_vreg.gather [hbm4b:s3+s1], $0x80, v3, vm0, $0xb8;
	[tilespmem:$0x10400] =	vst v63  }
0x52: {  	s16 =	simm.s32 $0x2C00  }
0x53: {  	[tilespmem:s16], [sflag:$0x2] =	stream.indirect_vreg.gather [hbm4b:s12+s1], $0x80, v3, vm0, $0xb8;
	[tilespmem:$0x10400] =	vst v63  }
0x54: {  	s9 =	simm.s32 $0x3400  }
0x55: {  	[tilespmem:s9], [sflag:$0x2] =	stream.indirect_vreg.gather [hbm4b:s13+s1], $0x80, v3, vm0, $0xb8;
	[tilespmem:$0x10400] =	vst v63  }
0x56: {  	s10 =	simm.s32 $0x3C00  }
0x57: {  	[tilespmem:s10], [sflag:$0x2] =	stream.indirect_vreg.gather [hbm4b:s14+s1], $0x80, v3, vm0, $0xb8;
	[tilespmem:$0x10400] =	vst v63  }
0x58: {  	v3 =	vld [tilespmem:$0x200];
	_ =	sdelay $0x4  }
0x59: {  	v61 =	vshll.u32 v3, $0x3  }
0x5a: {  	v3 =	vand.u32 $0x7, v3;
	v4 =	vand.u32 $0xFFFFFFC0, v61  }
0x5b: {  	v3 =	vor.u32 v3, v4  }
0x5c: {  	v4 =	vperm.xlane v3, v0;
	_ =	sdelay $0x1  }
0x5d: {  	v4 =	vadd.s32 v1, v4;
	_ =	sdelay $0x3  }
0x5e: {  	s11 =	simm.s32 $0x8400  }
0x5f: {  	[tilespmem:s11], [sflag:$0x4] =	stream.indirect_vreg.gather [hbm4b:s3+s1], $0x80, v4, vm0, $0xb8;
	[tilespmem:$0x10400] =	vst v63  }
0x60: {  	s15 =	simm.s32 $0x8C00;
	v3 =	vperm.xlane v3, v2  }
0x61: {  	[tilespmem:s15], [sflag:$0x4] =	stream.indirect_vreg.gather [hbm4b:s12+s1], $0x80, v4, vm0, $0xb8;
	[tilespmem:$0x10400] =	vst v63  }
0x62: {  	s16 =	simm.s32 $0x9400;
	v3 =	vadd.s32 v1, v3  }
0x63: {  	[tilespmem:s16], [sflag:$0x4] =	stream.indirect_vreg.gather [hbm4b:s13+s1], $0x80, v4, vm0, $0xb8;
	[tilespmem:$0x10400] =	vst v63  }
0x64: {  	s9 =	simm.s32 $0x9C00  }
0x65: {  	[tilespmem:s9], [sflag:$0x4] =	stream.indirect_vreg.gather [hbm4b:s14+s1], $0x80, v4, vm0, $0xb8;
	[tilespmem:$0x10400] =	vst v63  }
0x66: {  	s10 =	simm.s32 $0xA400  }
0x67: {  	[tilespmem:s10], [sflag:$0x4] =	stream.indirect_vreg.gather [hbm4b:s3+s1], $0x80, v3, vm0, $0xb8;
	[tilespmem:$0x10400] =	vst v63  }
0x68: {  	s11 =	simm.s32 $0xAC00  }
0x69: {  	[tilespmem:s11], [sflag:$0x4] =	stream.indirect_vreg.gather [hbm4b:s12+s1], $0x80, v3, vm0, $0xb8;
	[tilespmem:$0x10400] =	vst v63  }
0x6a: {  	s15 =	simm.s32 $0xB400  }
0x6b: {  	[tilespmem:s15], [sflag:$0x4] =	stream.indirect_vreg.gather [hbm4b:s13+s1], $0x80, v3, vm0, $0xb8;
	[tilespmem:$0x10400] =	vst v63  }
0x6c: {  	s16 =	simm.s32 $0xBC00  }
0x6d: {  	[tilespmem:s16], [sflag:$0x4] =	stream.indirect_vreg.gather [hbm4b:s14+s1], $0x80, v3, vm0, $0xb8;
	[tilespmem:$0x10400] =	vst v63  }
0x6e: {  	v3 =	vld [tilespmem:$0x80];
	_ =	sdelay $0x4  }
0x6f: {  	v62 =	vshll.u32 v3, $0x3  }
0x70: {  	v3 =	vand.u32 $0x7, v3;
	v4 =	vand.u32 $0xFFFFFFC0, v62  }
0x71: {  	v3 =	vor.u32 v3, v4  }
0x72: {  	v4 =	vperm.xlane v3, v0;
	_ =	sdelay $0x1  }
0x73: {  	v4 =	vadd.s32 v1, v4;
	_ =	sdelay $0x4  }
0x74: {  	[tilespmem:s8], [sflag:$0x3] =	stream.indirect_vreg.gather [hbm4b:s3+s1], $0x80, v4, vm0, $0xb8;
	[tilespmem:$0x10400] =	vst v63  }
0x75: {  	s9 =	simm.s32 $0x4C00;
	v3 =	vperm.xlane v3, v2  }
0x76: {  	[tilespmem:s9], [sflag:$0x3] =	stream.indirect_vreg.gather [hbm4b:s12+s1], $0x80, v4, vm0, $0xb8;
	[tilespmem:$0x10400] =	vst v63  }
0x77: {  	s10 =	simm.s32 $0x5400;
	v3 =	vadd.s32 v1, v3  }
0x78: {  	[tilespmem:s10], [sflag:$0x3] =	stream.indirect_vreg.gather [hbm4b:s13+s1], $0x80, v4, vm0, $0xb8;
	[tilespmem:$0x10400] =	vst v63  }
0x79: {  	s11 =	simm.s32 $0x5C00  }
0x7a: {  	[tilespmem:s11], [sflag:$0x3] =	stream.indirect_vreg.gather [hbm4b:s14+s1], $0x80, v4, vm0, $0xb8;
	[tilespmem:$0x10400] =	vst v63  }
0x7b: {  	s15 =	simm.s32 $0x6400  }
0x7c: {  	[tilespmem:s15], [sflag:$0x3] =	stream.indirect_vreg.gather [hbm4b:s3+s1], $0x80, v3, vm0, $0xb8;
	[tilespmem:$0x10400] =	vst v63  }
0x7d: {  	s16 =	simm.s32 $0x6C00  }
0x7e: {  	[tilespmem:s16], [sflag:$0x3] =	stream.indirect_vreg.gather [hbm4b:s12+s1], $0x80, v3, vm0, $0xb8;
	[tilespmem:$0x10400] =	vst v63  }
0x7f: {  	_ = 	snop  }
0x80: {  	[tilespmem:s17], [sflag:$0x3] =	stream.indirect_vreg.gather [hbm4b:s13+s1], $0x80, v3, vm0, $0xb8;
	[tilespmem:$0x10400] =	vst v63  }
0x81: {  	_ = 	snop  }
0x82: {  	[tilespmem:s30], [sflag:$0x3] =	stream.indirect_vreg.gather [hbm4b:s14+s1], $0x80, v3, vm0, $0xb8;
	[tilespmem:$0x10400] =	vst v63  }
0x83: {  	v3 =	vld [tilespmem:$0x280];
	_ =	sdelay $0x4  }
0x84: {  	v63 =	vshll.u32 v3, $0x3  }
0x85: {  	v3 =	vand.u32 $0x7, v3;
	v4 =	vand.u32 $0xFFFFFFC0, v63  }
0x86: {  	v3 =	vor.u32 v3, v4  }
0x87: {  	v4 =	vperm.xlane v3, v0;
	_ =	sdelay $0x1  }
0x88: {  	v4 =	vadd.s32 v1, v4;
	_ =	sdelay $0x4  }
0x89: {  	[tilespmem:s18], [sflag:$0x5] =	stream.indirect_vreg.gather [hbm4b:s3+s1], $0x80, v4, vm0, $0xb8;
	[tilespmem:$0x10400] =	vst v63  }
0x8a: {  	v3 =	vperm.xlane v3, v2  }
0x8b: {  	[tilespmem:s31], [sflag:$0x5] =	stream.indirect_vreg.gather [hbm4b:s12+s1], $0x80, v4, vm0, $0xb8;
	[tilespmem:$0x10400] =	vst v63  }
0x8c: {  	v3 =	vadd.s32 v1, v3  }
0x8d: {  	[tilespmem:s19], [sflag:$0x5] =	stream.indirect_vreg.gather [hbm4b:s13+s1], $0x80, v4, vm0, $0xb8;
	[tilespmem:$0x10400] =	vst v63  }
0x8e: {  	_ = 	snop  }
0x8f: {  	[tilespmem:s0], [sflag:$0x5] =	stream.indirect_vreg.gather [hbm4b:s14+s1], $0x80, v4, vm0, $0xb8;
	[tilespmem:$0x10400] =	vst v63  }
0x90: {  	_ = 	snop  }
0x91: {  	[tilespmem:s2], [sflag:$0x5] =	stream.indirect_vreg.gather [hbm4b:s3+s1], $0x80, v3, vm0, $0xb8;
	[tilespmem:$0x10400] =	vst v63  }
0x92: {  	_ = 	snop  }
0x93: {  	[tilespmem:s20], [sflag:$0x5] =	stream.indirect_vreg.gather [hbm4b:s12+s1], $0x80, v3, vm0, $0xb8;
	[tilespmem:$0x10400] =	vst v63  }
0x94: {  	_ = 	snop  }
0x95: {  	[tilespmem:s21], [sflag:$0x5] =	stream.indirect_vreg.gather [hbm4b:s13+s1], $0x80, v3, vm0, $0xb8;
	[tilespmem:$0x10400] =	vst v63  }
0x96: {  	_ = 	snop  }
0x97: {  	[tilespmem:s22], [sflag:$0x5] =	stream.indirect_vreg.gather [hbm4b:s14+s1], $0x80, v3, vm0, $0xb8;
	[tilespmem:$0x10400] =	vst v63  }
0x98: {  	_ =	swait.ge [sflag:s23], $0x4000  }
0x99: {  	[sflag:s23] =	ssyncset.done $0x0  }
0x9a: {  	[sflag:s23] =	ssyncadd.s32 $0xFFFFC000  }
0x9b: {  	_ =	swait.ge [sflag:s24], $0x4000  }
0x9c: {  	[sflag:s24] =	ssyncset.done $0x0  }
0x9d: {  	s7 =	simm.s32 $0x0;
	s9 =	simm.s32 $0x0;
	[sflag:s24] =	ssyncadd.s32 $0xFFFFC000  }
.LBB2_2:
0x9e: {  	s10 =	sshll.u32 s9, $0xC;
	s11 =	sand.u32 $0x7, s7  }
0x9f: {  	s10 =	sand.u32 $0xFFFF8000, s10;
	s11 =	sshll.u32 s11, $0x9  }
0xa0: {  	s10 =	sor.u32 s11, s10  }
0xa1: {  	s10 =	sshrl.u32 s10, $0x2  }
0xa2: {  	s15 =	sadd.s32 $0x8440, s10  }
0xa3: {  	v3 =	vmov s15;
	_ =	sdelay $0x3  }
0xa4: {  	s11 =	sor.u32 $0x400, s10;
	s10 =	simm.s32 $0x0;
	s15 =	simm.s32 $0x1000  }
.LBB2_3:
0xa5: {  	p0 =	sne.s32 s15, $0x7000;
	v4 =	vld.idx.msk [tilespmem:v3+s10+$0xFFFFFFC0 ss:$0x1], $0xffff;
	_ =	sdelay $0x4  }
0xa6: {  	s16 =	sadd.s32 s10, s11  }
0xa7: {  	[tilespmem:s16+$0x0] =	vst.add.f32.msk $0xffff, v4  }
0xa8: {  	v4 =	vld.idx.msk [tilespmem:v3+s10+$0xFFFFFFD0 ss:$0x1], $0xffff;
	_ =	sdelay $0x5  }
0xa9: {  	[tilespmem:s16+$0x10] =	vst.add.f32.msk $0xffff, v4  }
0xaa: {  	v4 =	vld.idx.msk [tilespmem:v3+s10+$0xFFFFFFE0 ss:$0x1], $0xffff;
	_ =	sdelay $0x5  }
0xab: {  	[tilespmem:s16+$0x20] =	vst.add.f32.msk $0xffff, v4  }
0xac: {  	v4 =	vld.idx.msk [tilespmem:v3+s10+$0xFFFFFFF0 ss:$0x1], $0xffff;
	_ =	sdelay $0x5  }
0xad: {  	[tilespmem:s16+$0x30] =	vst.add.f32.msk $0xffff, v4  }
0xae: {  	v4 =	vld.idx.msk [tilespmem:v3+s10+$0x0 ss:$0x1], $0xffff;
	_ =	sdelay $0x5  }
0xaf: {  	[tilespmem:s16+$0x40] =	vst.add.f32.msk $0xffff, v4  }
0xb0: {  	v4 =	vld.idx.msk [tilespmem:v3+s10+$0x10 ss:$0x1], $0xffff;
	_ =	sdelay $0x5  }
0xb1: {  	[tilespmem:s16+$0x50] =	vst.add.f32.msk $0xffff, v4  }
0xb2: {  	v4 =	vld.idx.msk [tilespmem:v3+s10+$0x20 ss:$0x1], $0xffff;
	_ =	sdelay $0x5  }
0xb3: {  	[tilespmem:s16+$0x60] =	vst.add.f32.msk $0xffff, v4  }
0xb4: {  	v4 =	vld.idx.msk [tilespmem:v3+s10+$0x30 ss:$0x1], $0xffff;
	_ =	sdelay $0x1  }
.Ltmp0:
0xb5: {  	(pc) =	sbr.rel @p0 .LBB2_3-.Ltmp0, $2  }
0xb6: {  	_ =	sdelay $0x2  }
0xb7: {  	s10 =	sshra.s32 s15, $0x2;
	s15 =	sadd.s32 $0x1000, s15;
	[tilespmem:s16+$0x70] =	vst.add.f32.msk $0xffff, v4  }
0xb8: {  	_ =	sdelay $0x3  }
0xb9: {  	v4 =	vld.idx.msk [tilespmem:v3+s10+$0xFFFFFFC0 ss:$0x1], $0xffff;
	_ =	sdelay $0x3  }
0xba: {  	s11 =	sadd.s32 s10, s11  }
0xbb: {  	[tilespmem:s11+$0x0] =	vst.add.f32.msk $0xffff, v4  }
0xbc: {  	v4 =	vld.idx.msk [tilespmem:v3+s10+$0xFFFFFFD0 ss:$0x1], $0xffff;
	_ =	sdelay $0x4  }
0xbd: {  	[tilespmem:s11+$0x10] =	vst.add.f32.msk $0xffff, v4  }
0xbe: {  	v4 =	vld.idx.msk [tilespmem:v3+s10+$0xFFFFFFE0 ss:$0x1], $0xffff;
	_ =	sdelay $0x4  }
0xbf: {  	[tilespmem:s11+$0x20] =	vst.add.f32.msk $0xffff, v4  }
0xc0: {  	v4 =	vld.idx.msk [tilespmem:v3+s10+$0xFFFFFFF0 ss:$0x1], $0xffff;
	_ =	sdelay $0x4  }
0xc1: {  	[tilespmem:s11+$0x30] =	vst.add.f32.msk $0xffff, v4  }
0xc2: {  	v4 =	vld.idx.msk [tilespmem:v3+s10+$0x0 ss:$0x1], $0xffff;
	_ =	sdelay $0x4  }
0xc3: {  	[tilespmem:s11+$0x40] =	vst.add.f32.msk $0xffff, v4  }
0xc4: {  	v4 =	vld.idx.msk [tilespmem:v3+s10+$0x10 ss:$0x1], $0xffff;
	_ =	sdelay $0x4  }
0xc5: {  	[tilespmem:s11+$0x50] =	vst.add.f32.msk $0xffff, v4  }
0xc6: {  	v4 =	vld.idx.msk [tilespmem:v3+s10+$0x20 ss:$0x1], $0xffff;
	_ =	sdelay $0x4  }
0xc7: {  	s9 =	sadd.s32 $0x1, s9;
	[tilespmem:s11+$0x60] =	vst.add.f32.msk $0xffff, v4  }
0xc8: {  	p0 =	sne.s32 s9, $0x10;
	v3 =	vld.idx.msk [tilespmem:v3+s10+$0x30 ss:$0x1], $0xffff  }
.Ltmp1:
0xc9: {  	_ = 	snop;
	(pc) =	sbr.rel @p0 .LBB2_2-.Ltmp1, $2  }
0xca: {  	_ =	sdelay $0x2  }
0xcb: {  	s7 =	sadd.s32 $0x1, s7;
	[tilespmem:s11+$0x70] =	vst.add.f32.msk $0xffff, v3  }
0xcc: {  	s7 =	simm.s32 $0x0;
	s9 =	rddreg [dreg:$0xb]  }
0xcd: {  	[hbm4b:s9+s7] =	stream.linear.scatter [tilespmem:s29], [sflag:$0x6], $0x4000, $0x38;
	[tilespmem:$0x10400] =	vst v63  }
0xce: {  	_ =	swait.ge [sflag:s25], $0x4000  }
0xcf: {  	[sflag:s25] =	ssyncset.done $0x0  }
0xd0: {  	[sflag:s25] =	ssyncadd.s32 $0xFFFFC000  }
0xd1: {  	v3 =	vld [tilespmem:$0x100];
	_ =	sdelay $0x4  }
0xd2: {  	v4 =	vshll.u32 v3, $0x3  }
0xd3: {  	v3 =	vand.u32 $0x7, v3;
	v4 =	vand.u32 $0xFFFFFFC0, v4  }
0xd4: {  	v3 =	vor.u32 v3, v4  }
0xd5: {  	v4 =	vperm.xlane v3, v0;
	_ =	sdelay $0x1  }
0xd6: {  	v4 =	vadd.s32 v1, v4;
	_ =	sdelay $0x4  }
0xd7: {  	[tilespmem:s29], [sflag:$0x2] =	stream.indirect_vreg.gather [hbm4b:s3+s7], $0x80, v4, vm0, $0xb8;
	[tilespmem:$0x10400] =	vst v63  }
0xd8: {  	s11 =	simm.s32 $0xC00;
	v3 =	vperm.xlane v3, v2  }
0xd9: {  	[tilespmem:s11], [sflag:$0x2] =	stream.indirect_vreg.gather [hbm4b:s12+s7], $0x80, v4, vm0, $0xb8;
	[tilespmem:$0x10400] =	vst v63  }
0xda: {  	s15 =	simm.s32 $0x1400;
	v3 =	vadd.s32 v1, v3  }
0xdb: {  	[tilespmem:s15], [sflag:$0x2] =	stream.indirect_vreg.gather [hbm4b:s13+s7], $0x80, v4, vm0, $0xb8;
	[tilespmem:$0x10400] =	vst v63  }
0xdc: {  	s16 =	simm.s32 $0x1C00  }
0xdd: {  	[tilespmem:s16], [sflag:$0x2] =	stream.indirect_vreg.gather [hbm4b:s14+s7], $0x80, v4, vm0, $0xb8;
	[tilespmem:$0x10400] =	vst v63  }
0xde: {  	s10 =	simm.s32 $0x2400  }
0xdf: {  	[tilespmem:s10], [sflag:$0x2] =	stream.indirect_vreg.gather [hbm4b:s3+s7], $0x80, v3, vm0, $0xb8;
	[tilespmem:$0x10400] =	vst v63  }
0xe0: {  	s11 =	simm.s32 $0x2C00  }
0xe1: {  	[tilespmem:s11], [sflag:$0x2] =	stream.indirect_vreg.gather [hbm4b:s12+s7], $0x80, v3, vm0, $0xb8;
	[tilespmem:$0x10400] =	vst v63  }
0xe2: {  	s15 =	simm.s32 $0x3400  }
0xe3: {  	[tilespmem:s15], [sflag:$0x2] =	stream.indirect_vreg.gather [hbm4b:s13+s7], $0x80, v3, vm0, $0xb8;
	[tilespmem:$0x10400] =	vst v63  }
0xe4: {  	s16 =	simm.s32 $0x3C00  }
0xe5: {  	[tilespmem:s16], [sflag:$0x2] =	stream.indirect_vreg.gather [hbm4b:s14+s7], $0x80, v3, vm0, $0xb8;
	[tilespmem:$0x10400] =	vst v63  }
0xe6: {  	v3 =	vld [tilespmem:$0x300];
	_ =	sdelay $0x4  }
0xe7: {  	v63 =	vshll.u32 v3, $0x3  }
0xe8: {  	v3 =	vand.u32 $0x7, v3;
	v4 =	vand.u32 $0xFFFFFFC0, v63  }
0xe9: {  	v3 =	vor.u32 v3, v4  }
0xea: {  	v4 =	vperm.xlane v3, v0;
	_ =	sdelay $0x1  }
0xeb: {  	v4 =	vadd.s32 v1, v4;
	_ =	sdelay $0x3  }
0xec: {  	s10 =	simm.s32 $0x8400  }
0xed: {  	[tilespmem:s10], [sflag:$0x4] =	stream.indirect_vreg.gather [hbm4b:s3+s7], $0x80, v4, vm0, $0xb8;
	[tilespmem:$0x10400] =	vst v63  }
0xee: {  	s11 =	simm.s32 $0x8C00;
	v3 =	vperm.xlane v3, v2  }
0xef: {  	[tilespmem:s11], [sflag:$0x4] =	stream.indirect_vreg.gather [hbm4b:s12+s7], $0x80, v4, vm0, $0xb8;
	[tilespmem:$0x10400] =	vst v63  }
0xf0: {  	s15 =	simm.s32 $0x9400;
	v3 =	vadd.s32 v1, v3  }
0xf1: {  	[tilespmem:s15], [sflag:$0x4] =	stream.indirect_vreg.gather [hbm4b:s13+s7], $0x80, v4, vm0, $0xb8;
	[tilespmem:$0x10400] =	vst v63  }
0xf2: {  	s16 =	simm.s32 $0x9C00  }
0xf3: {  	[tilespmem:s16], [sflag:$0x4] =	stream.indirect_vreg.gather [hbm4b:s14+s7], $0x80, v4, vm0, $0xb8;
	[tilespmem:$0x10400] =	vst v63  }
0xf4: {  	s10 =	simm.s32 $0xA400  }
0xf5: {  	[tilespmem:s10], [sflag:$0x4] =	stream.indirect_vreg.gather [hbm4b:s3+s7], $0x80, v3, vm0, $0xb8;
	[tilespmem:$0x10400] =	vst v63  }
0xf6: {  	s11 =	simm.s32 $0xAC00  }
0xf7: {  	[tilespmem:s11], [sflag:$0x4] =	stream.indirect_vreg.gather [hbm4b:s12+s7], $0x80, v3, vm0, $0xb8;
	[tilespmem:$0x10400] =	vst v63  }
0xf8: {  	s15 =	simm.s32 $0xB400  }
0xf9: {  	[tilespmem:s15], [sflag:$0x4] =	stream.indirect_vreg.gather [hbm4b:s13+s7], $0x80, v3, vm0, $0xb8;
	[tilespmem:$0x10400] =	vst v63  }
0xfa: {  	s16 =	simm.s32 $0xBC00  }
0xfb: {  	[tilespmem:s16], [sflag:$0x4] =	stream.indirect_vreg.gather [hbm4b:s14+s7], $0x80, v3, vm0, $0xb8;
	[tilespmem:$0x10400] =	vst v63  }
0xfc: {  	_ =	swait.ge [sflag:s26], $0x4000  }
0xfd: {  	[sflag:s26] =	ssyncset.done $0x0  }
0xfe: {  	[sflag:s26] =	ssyncadd.s32 $0xFFFFC000  }
0xff: {  	_ =	swait.ge [sflag:s4], $0x4000  }
0x100: {  	[sflag:s4] =	ssyncset.done $0x0  }
0x101: {  	s9 =	simm.s32 $0x0;
	[sflag:s4] =	ssyncadd.s32 $0xFFFFC000  }
.LBB2_6:
0x102: {  	s10 =	sshll.u32 s9, $0xC;
	s11 =	sand.u32 $0x7, s7  }
0x103: {  	s10 =	sand.u32 $0xFFFF8000, s10;
	s11 =	sshll.u32 s11, $0x9  }
0x104: {  	s10 =	sor.u32 s11, s10  }
0x105: {  	s10 =	sshrl.u32 s10, $0x2  }
0x106: {  	s15 =	sadd.s32 $0xC440, s10  }
0x107: {  	v3 =	vmov s15;
	_ =	sdelay $0x3  }
0x108: {  	s11 =	sadd.s32 $0x4400, s10;
	s10 =	simm.s32 $0x0;
	s15 =	simm.s32 $0x1000  }
.LBB2_7:
0x109: {  	p0 =	sne.s32 s15, $0x7000;
	v4 =	vld.idx.msk [tilespmem:v3+s10+$0xFFFFFFC0 ss:$0x1], $0xffff;
	_ =	sdelay $0x4  }
0x10a: {  	s16 =	sadd.s32 s10, s11  }
0x10b: {  	[tilespmem:s16+$0x0] =	vst.add.f32.msk $0xffff, v4  }
0x10c: {  	v4 =	vld.idx.msk [tilespmem:v3+s10+$0xFFFFFFD0 ss:$0x1], $0xffff;
	_ =	sdelay $0x5  }
0x10d: {  	[tilespmem:s16+$0x10] =	vst.add.f32.msk $0xffff, v4  }
0x10e: {  	v4 =	vld.idx.msk [tilespmem:v3+s10+$0xFFFFFFE0 ss:$0x1], $0xffff;
	_ =	sdelay $0x5  }
0x10f: {  	[tilespmem:s16+$0x20] =	vst.add.f32.msk $0xffff, v4  }
0x110: {  	v4 =	vld.idx.msk [tilespmem:v3+s10+$0xFFFFFFF0 ss:$0x1], $0xffff;
	_ =	sdelay $0x5  }
0x111: {  	[tilespmem:s16+$0x30] =	vst.add.f32.msk $0xffff, v4  }
0x112: {  	v4 =	vld.idx.msk [tilespmem:v3+s10+$0x0 ss:$0x1], $0xffff;
	_ =	sdelay $0x5  }
0x113: {  	[tilespmem:s16+$0x40] =	vst.add.f32.msk $0xffff, v4  }
0x114: {  	v4 =	vld.idx.msk [tilespmem:v3+s10+$0x10 ss:$0x1], $0xffff;
	_ =	sdelay $0x5  }
0x115: {  	[tilespmem:s16+$0x50] =	vst.add.f32.msk $0xffff, v4  }
0x116: {  	v4 =	vld.idx.msk [tilespmem:v3+s10+$0x20 ss:$0x1], $0xffff;
	_ =	sdelay $0x5  }
0x117: {  	[tilespmem:s16+$0x60] =	vst.add.f32.msk $0xffff, v4  }
0x118: {  	v4 =	vld.idx.msk [tilespmem:v3+s10+$0x30 ss:$0x1], $0xffff;
	_ =	sdelay $0x1  }
.Ltmp2:
0x119: {  	(pc) =	sbr.rel @p0 .LBB2_7-.Ltmp2, $2  }
0x11a: {  	_ =	sdelay $0x2  }
0x11b: {  	s10 =	sshra.s32 s15, $0x2;
	s15 =	sadd.s32 $0x1000, s15;
	[tilespmem:s16+$0x70] =	vst.add.f32.msk $0xffff, v4  }
0x11c: {  	_ =	sdelay $0x3  }
0x11d: {  	v4 =	vld.idx.msk [tilespmem:v3+s10+$0xFFFFFFC0 ss:$0x1], $0xffff;
	_ =	sdelay $0x3  }
0x11e: {  	s11 =	sadd.s32 s10, s11  }
0x11f: {  	[tilespmem:s11+$0x0] =	vst.add.f32.msk $0xffff, v4  }
0x120: {  	v4 =	vld.idx.msk [tilespmem:v3+s10+$0xFFFFFFD0 ss:$0x1], $0xffff;
	_ =	sdelay $0x4  }
0x121: {  	[tilespmem:s11+$0x10] =	vst.add.f32.msk $0xffff, v4  }
0x122: {  	v4 =	vld.idx.msk [tilespmem:v3+s10+$0xFFFFFFE0 ss:$0x1], $0xffff;
	_ =	sdelay $0x4  }
0x123: {  	[tilespmem:s11+$0x20] =	vst.add.f32.msk $0xffff, v4  }
0x124: {  	v4 =	vld.idx.msk [tilespmem:v3+s10+$0xFFFFFFF0 ss:$0x1], $0xffff;
	_ =	sdelay $0x4  }
0x125: {  	[tilespmem:s11+$0x30] =	vst.add.f32.msk $0xffff, v4  }
0x126: {  	v4 =	vld.idx.msk [tilespmem:v3+s10+$0x0 ss:$0x1], $0xffff;
	_ =	sdelay $0x4  }
0x127: {  	[tilespmem:s11+$0x40] =	vst.add.f32.msk $0xffff, v4  }
0x128: {  	v4 =	vld.idx.msk [tilespmem:v3+s10+$0x10 ss:$0x1], $0xffff;
	_ =	sdelay $0x4  }
0x129: {  	[tilespmem:s11+$0x50] =	vst.add.f32.msk $0xffff, v4  }
0x12a: {  	v4 =	vld.idx.msk [tilespmem:v3+s10+$0x20 ss:$0x1], $0xffff;
	_ =	sdelay $0x4  }
0x12b: {  	s9 =	sadd.s32 $0x1, s9;
	[tilespmem:s11+$0x60] =	vst.add.f32.msk $0xffff, v4  }
0x12c: {  	p0 =	sne.s32 s9, $0x10;
	v3 =	vld.idx.msk [tilespmem:v3+s10+$0x30 ss:$0x1], $0xffff  }
.Ltmp3:
0x12d: {  	_ = 	snop;
	(pc) =	sbr.rel @p0 .LBB2_6-.Ltmp3, $2  }
0x12e: {  	_ =	sdelay $0x2  }
0x12f: {  	s7 =	sadd.s32 $0x1, s7;
	[tilespmem:s11+$0x70] =	vst.add.f32.msk $0xffff, v3  }
0x130: {  	s7 =	simm.s32 $0x0;
	s9 =	rddreg [dreg:$0xc]  }
0x131: {  	[hbm4b:s9+s7] =	stream.linear.scatter [tilespmem:s8], [sflag:$0x7], $0x4000, $0x38;
	[tilespmem:$0x10400] =	vst v63  }
0x132: {  	_ =	swait.ge [sflag:s5], $0x4000  }
0x133: {  	[sflag:s5] =	ssyncset.done $0x0  }
0x134: {  	[sflag:s5] =	ssyncadd.s32 $0xFFFFC000  }
0x135: {  	v3 =	vld [tilespmem:$0x180];
	_ =	sdelay $0x4  }
0x136: {  	v4 =	vshll.u32 v3, $0x3  }
0x137: {  	v3 =	vand.u32 $0x7, v3;
	v4 =	vand.u32 $0xFFFFFFC0, v4  }
0x138: {  	v3 =	vor.u32 v3, v4  }
0x139: {  	v4 =	vperm.xlane v3, v0;
	_ =	sdelay $0x1  }
0x13a: {  	v4 =	vadd.s32 v1, v4;
	_ =	sdelay $0x4  }
0x13b: {  	[tilespmem:s8], [sflag:$0x3] =	stream.indirect_vreg.gather [hbm4b:s3+s7], $0x80, v4, vm0, $0xb8;
	[tilespmem:$0x10400] =	vst v63  }
0x13c: {  	s16 =	simm.s32 $0x4C00;
	v3 =	vperm.xlane v3, v2  }
0x13d: {  	[tilespmem:s16], [sflag:$0x3] =	stream.indirect_vreg.gather [hbm4b:s12+s7], $0x80, v4, vm0, $0xb8;
	[tilespmem:$0x10400] =	vst v63  }
0x13e: {  	s10 =	simm.s32 $0x5400;
	v3 =	vadd.s32 v1, v3  }
0x13f: {  	[tilespmem:s10], [sflag:$0x3] =	stream.indirect_vreg.gather [hbm4b:s13+s7], $0x80, v4, vm0, $0xb8;
	[tilespmem:$0x10400] =	vst v63  }
0x140: {  	s11 =	simm.s32 $0x5C00  }
0x141: {  	[tilespmem:s11], [sflag:$0x3] =	stream.indirect_vreg.gather [hbm4b:s14+s7], $0x80, v4, vm0, $0xb8;
	[tilespmem:$0x10400] =	vst v63  }
0x142: {  	s15 =	simm.s32 $0x6400  }
0x143: {  	[tilespmem:s15], [sflag:$0x3] =	stream.indirect_vreg.gather [hbm4b:s3+s7], $0x80, v3, vm0, $0xb8;
	[tilespmem:$0x10400] =	vst v63  }
0x144: {  	s16 =	simm.s32 $0x6C00  }
0x145: {  	[tilespmem:s16], [sflag:$0x3] =	stream.indirect_vreg.gather [hbm4b:s12+s7], $0x80, v3, vm0, $0xb8;
	[tilespmem:$0x10400] =	vst v63  }
0x146: {  	_ = 	snop  }
0x147: {  	[tilespmem:s17], [sflag:$0x3] =	stream.indirect_vreg.gather [hbm4b:s13+s7], $0x80, v3, vm0, $0xb8;
	[tilespmem:$0x10400] =	vst v63  }
0x148: {  	_ = 	snop  }
0x149: {  	[tilespmem:s30], [sflag:$0x3] =	stream.indirect_vreg.gather [hbm4b:s14+s7], $0x80, v3, vm0, $0xb8;
	[tilespmem:$0x10400] =	vst v63  }
0x14a: {  	v3 =	vld [tilespmem:$0x380];
	_ =	sdelay $0x4  }
0x14b: {  	v63 =	vshll.u32 v3, $0x3  }
0x14c: {  	v3 =	vand.u32 $0x7, v3;
	v4 =	vand.u32 $0xFFFFFFC0, v63  }
0x14d: {  	v3 =	vor.u32 v3, v4  }
0x14e: {  	v4 =	vperm.xlane v3, v0;
	_ =	sdelay $0x1  }
0x14f: {  	v4 =	vadd.s32 v1, v4;
	_ =	sdelay $0x4  }
0x150: {  	[tilespmem:s18], [sflag:$0x5] =	stream.indirect_vreg.gather [hbm4b:s3+s7], $0x80, v4, vm0, $0xb8;
	[tilespmem:$0x10400] =	vst v63  }
0x151: {  	v3 =	vperm.xlane v3, v2  }
0x152: {  	[tilespmem:s31], [sflag:$0x5] =	stream.indirect_vreg.gather [hbm4b:s12+s7], $0x80, v4, vm0, $0xb8;
	[tilespmem:$0x10400] =	vst v63  }
0x153: {  	v3 =	vadd.s32 v1, v3  }
0x154: {  	[tilespmem:s19], [sflag:$0x5] =	stream.indirect_vreg.gather [hbm4b:s13+s7], $0x80, v4, vm0, $0xb8;
	[tilespmem:$0x10400] =	vst v63  }
0x155: {  	_ = 	snop  }
0x156: {  	[tilespmem:s0], [sflag:$0x5] =	stream.indirect_vreg.gather [hbm4b:s14+s7], $0x80, v4, vm0, $0xb8;
	[tilespmem:$0x10400] =	vst v63  }
0x157: {  	_ = 	snop  }
0x158: {  	[tilespmem:s2], [sflag:$0x5] =	stream.indirect_vreg.gather [hbm4b:s3+s7], $0x80, v3, vm0, $0xb8;
	[tilespmem:$0x10400] =	vst v63  }
0x159: {  	_ = 	snop  }
0x15a: {  	[tilespmem:s20], [sflag:$0x5] =	stream.indirect_vreg.gather [hbm4b:s12+s7], $0x80, v3, vm0, $0xb8;
	[tilespmem:$0x10400] =	vst v63  }
0x15b: {  	_ = 	snop  }
0x15c: {  	[tilespmem:s21], [sflag:$0x5] =	stream.indirect_vreg.gather [hbm4b:s13+s7], $0x80, v3, vm0, $0xb8;
	[tilespmem:$0x10400] =	vst v63  }
0x15d: {  	_ = 	snop  }
0x15e: {  	[tilespmem:s22], [sflag:$0x5] =	stream.indirect_vreg.gather [hbm4b:s14+s7], $0x80, v3, vm0, $0xb8;
	[tilespmem:$0x10400] =	vst v63  }
0x15f: {  	_ =	swait.ge [sflag:s23], $0x4000  }
0x160: {  	[sflag:s23] =	ssyncset.done $0x0  }
0x161: {  	[sflag:s23] =	ssyncadd.s32 $0xFFFFC000  }
0x162: {  	_ =	swait.ge [sflag:s24], $0x4000  }
0x163: {  	[sflag:s24] =	ssyncset.done $0x0  }
0x164: {  	s9 =	simm.s32 $0x0;
	[sflag:s24] =	ssyncadd.s32 $0xFFFFC000  }
.LBB2_10:
0x165: {  	s10 =	sshll.u32 s9, $0xC;
	s11 =	sand.u32 $0x7, s7  }
0x166: {  	s10 =	sand.u32 $0xFFFF8000, s10;
	s11 =	sshll.u32 s11, $0x9  }
0x167: {  	s10 =	sor.u32 s11, s10  }
0x168: {  	s10 =	sshrl.u32 s10, $0x2  }
0x169: {  	s15 =	sadd.s32 $0x8440, s10  }
0x16a: {  	v3 =	vmov s15;
	_ =	sdelay $0x3  }
0x16b: {  	s11 =	sor.u32 $0x400, s10;
	s10 =	simm.s32 $0x0;
	s15 =	simm.s32 $0x1000  }
.LBB2_11:
0x16c: {  	p0 =	sne.s32 s15, $0x7000;
	v4 =	vld.idx.msk [tilespmem:v3+s10+$0xFFFFFFC0 ss:$0x1], $0xffff;
	_ =	sdelay $0x4  }
0x16d: {  	s16 =	sadd.s32 s10, s11  }
0x16e: {  	[tilespmem:s16+$0x0] =	vst.add.f32.msk $0xffff, v4  }
0x16f: {  	v4 =	vld.idx.msk [tilespmem:v3+s10+$0xFFFFFFD0 ss:$0x1], $0xffff;
	_ =	sdelay $0x5  }
0x170: {  	[tilespmem:s16+$0x10] =	vst.add.f32.msk $0xffff, v4  }
0x171: {  	v4 =	vld.idx.msk [tilespmem:v3+s10+$0xFFFFFFE0 ss:$0x1], $0xffff;
	_ =	sdelay $0x5  }
0x172: {  	[tilespmem:s16+$0x20] =	vst.add.f32.msk $0xffff, v4  }
0x173: {  	v4 =	vld.idx.msk [tilespmem:v3+s10+$0xFFFFFFF0 ss:$0x1], $0xffff;
	_ =	sdelay $0x5  }
0x174: {  	[tilespmem:s16+$0x30] =	vst.add.f32.msk $0xffff, v4  }
0x175: {  	v4 =	vld.idx.msk [tilespmem:v3+s10+$0x0 ss:$0x1], $0xffff;
	_ =	sdelay $0x5  }
0x176: {  	[tilespmem:s16+$0x40] =	vst.add.f32.msk $0xffff, v4  }
0x177: {  	v4 =	vld.idx.msk [tilespmem:v3+s10+$0x10 ss:$0x1], $0xffff;
	_ =	sdelay $0x5  }
0x178: {  	[tilespmem:s16+$0x50] =	vst.add.f32.msk $0xffff, v4  }
0x179: {  	v4 =	vld.idx.msk [tilespmem:v3+s10+$0x20 ss:$0x1], $0xffff;
	_ =	sdelay $0x5  }
0x17a: {  	[tilespmem:s16+$0x60] =	vst.add.f32.msk $0xffff, v4  }
0x17b: {  	v4 =	vld.idx.msk [tilespmem:v3+s10+$0x30 ss:$0x1], $0xffff;
	_ =	sdelay $0x1  }
.Ltmp4:
0x17c: {  	(pc) =	sbr.rel @p0 .LBB2_11-.Ltmp4, $2  }
0x17d: {  	_ =	sdelay $0x2  }
0x17e: {  	s10 =	sshra.s32 s15, $0x2;
	s15 =	sadd.s32 $0x1000, s15;
	[tilespmem:s16+$0x70] =	vst.add.f32.msk $0xffff, v4  }
0x17f: {  	_ =	sdelay $0x3  }
0x180: {  	v4 =	vld.idx.msk [tilespmem:v3+s10+$0xFFFFFFC0 ss:$0x1], $0xffff;
	_ =	sdelay $0x3  }
0x181: {  	s11 =	sadd.s32 s10, s11  }
0x182: {  	[tilespmem:s11+$0x0] =	vst.add.f32.msk $0xffff, v4  }
0x183: {  	v4 =	vld.idx.msk [tilespmem:v3+s10+$0xFFFFFFD0 ss:$0x1], $0xffff;
	_ =	sdelay $0x4  }
0x184: {  	[tilespmem:s11+$0x10] =	vst.add.f32.msk $0xffff, v4  }
0x185: {  	v4 =	vld.idx.msk [tilespmem:v3+s10+$0xFFFFFFE0 ss:$0x1], $0xffff;
	_ =	sdelay $0x4  }
0x186: {  	[tilespmem:s11+$0x20] =	vst.add.f32.msk $0xffff, v4  }
0x187: {  	v4 =	vld.idx.msk [tilespmem:v3+s10+$0xFFFFFFF0 ss:$0x1], $0xffff;
	_ =	sdelay $0x4  }
0x188: {  	[tilespmem:s11+$0x30] =	vst.add.f32.msk $0xffff, v4  }
0x189: {  	v4 =	vld.idx.msk [tilespmem:v3+s10+$0x0 ss:$0x1], $0xffff;
	_ =	sdelay $0x4  }
0x18a: {  	[tilespmem:s11+$0x40] =	vst.add.f32.msk $0xffff, v4  }
0x18b: {  	v4 =	vld.idx.msk [tilespmem:v3+s10+$0x10 ss:$0x1], $0xffff;
	_ =	sdelay $0x4  }
0x18c: {  	[tilespmem:s11+$0x50] =	vst.add.f32.msk $0xffff, v4  }
0x18d: {  	v4 =	vld.idx.msk [tilespmem:v3+s10+$0x20 ss:$0x1], $0xffff;
	_ =	sdelay $0x4  }
0x18e: {  	s9 =	sadd.s32 $0x1, s9;
	[tilespmem:s11+$0x60] =	vst.add.f32.msk $0xffff, v4  }
0x18f: {  	p0 =	sne.s32 s9, $0x10;
	v3 =	vld.idx.msk [tilespmem:v3+s10+$0x30 ss:$0x1], $0xffff  }
.Ltmp5:
0x190: {  	_ = 	snop;
	(pc) =	sbr.rel @p0 .LBB2_10-.Ltmp5, $2  }
0x191: {  	_ =	sdelay $0x2  }
0x192: {  	s7 =	sadd.s32 $0x1, s7;
	[tilespmem:s11+$0x70] =	vst.add.f32.msk $0xffff, v3  }
0x193: {  	s7 =	simm.s32 $0x0;
	s9 =	rddreg [dreg:$0xd]  }
0x194: {  	[hbm4b:s9+s7] =	stream.linear.scatter [tilespmem:s29], [sflag:$0x6], $0x4000, $0x38;
	[tilespmem:$0x10400] =	vst v63  }
0x195: {  	_ =	swait.ge [sflag:s26], $0x4000  }
0x196: {  	[sflag:s26] =	ssyncset.done $0x0  }
0x197: {  	[sflag:s26] =	ssyncadd.s32 $0xFFFFC000  }
0x198: {  	_ =	swait.ge [sflag:s4], $0x4000  }
0x199: {  	[sflag:s4] =	ssyncset.done $0x0  }
0x19a: {  	s9 =	simm.s32 $0x0;
	[sflag:s4] =	ssyncadd.s32 $0xFFFFC000  }
.LBB2_14:
0x19b: {  	s10 =	sshll.u32 s9, $0xC;
	s11 =	sand.u32 $0x7, s7  }
0x19c: {  	s10 =	sand.u32 $0xFFFF8000, s10;
	s11 =	sshll.u32 s11, $0x9  }
0x19d: {  	s10 =	sor.u32 s11, s10  }
0x19e: {  	s10 =	sshrl.u32 s10, $0x2  }
0x19f: {  	s15 =	sadd.s32 $0xC440, s10  }
0x1a0: {  	v3 =	vmov s15;
	_ =	sdelay $0x3  }
0x1a1: {  	s11 =	sadd.s32 $0x4400, s10;
	s10 =	simm.s32 $0x0;
	s15 =	simm.s32 $0x1000  }
.LBB2_15:
0x1a2: {  	p0 =	sne.s32 s15, $0x7000;
	v4 =	vld.idx.msk [tilespmem:v3+s10+$0xFFFFFFC0 ss:$0x1], $0xffff;
	_ =	sdelay $0x4  }
0x1a3: {  	s16 =	sadd.s32 s10, s11  }
0x1a4: {  	[tilespmem:s16+$0x0] =	vst.add.f32.msk $0xffff, v4  }
0x1a5: {  	v4 =	vld.idx.msk [tilespmem:v3+s10+$0xFFFFFFD0 ss:$0x1], $0xffff;
	_ =	sdelay $0x5  }
0x1a6: {  	[tilespmem:s16+$0x10] =	vst.add.f32.msk $0xffff, v4  }
0x1a7: {  	v4 =	vld.idx.msk [tilespmem:v3+s10+$0xFFFFFFE0 ss:$0x1], $0xffff;
	_ =	sdelay $0x5  }
0x1a8: {  	[tilespmem:s16+$0x20] =	vst.add.f32.msk $0xffff, v4  }
0x1a9: {  	v4 =	vld.idx.msk [tilespmem:v3+s10+$0xFFFFFFF0 ss:$0x1], $0xffff;
	_ =	sdelay $0x5  }
0x1aa: {  	[tilespmem:s16+$0x30] =	vst.add.f32.msk $0xffff, v4  }
0x1ab: {  	v4 =	vld.idx.msk [tilespmem:v3+s10+$0x0 ss:$0x1], $0xffff;
	_ =	sdelay $0x5  }
0x1ac: {  	[tilespmem:s16+$0x40] =	vst.add.f32.msk $0xffff, v4  }
0x1ad: {  	v4 =	vld.idx.msk [tilespmem:v3+s10+$0x10 ss:$0x1], $0xffff;
	_ =	sdelay $0x5  }
0x1ae: {  	[tilespmem:s16+$0x50] =	vst.add.f32.msk $0xffff, v4  }
0x1af: {  	v4 =	vld.idx.msk [tilespmem:v3+s10+$0x20 ss:$0x1], $0xffff;
	_ =	sdelay $0x5  }
0x1b0: {  	[tilespmem:s16+$0x60] =	vst.add.f32.msk $0xffff, v4  }
0x1b1: {  	v4 =	vld.idx.msk [tilespmem:v3+s10+$0x30 ss:$0x1], $0xffff;
	_ =	sdelay $0x1  }
.Ltmp6:
0x1b2: {  	(pc) =	sbr.rel @p0 .LBB2_15-.Ltmp6, $2  }
0x1b3: {  	_ =	sdelay $0x2  }
0x1b4: {  	s10 =	sshra.s32 s15, $0x2;
	s15 =	sadd.s32 $0x1000, s15;
	[tilespmem:s16+$0x70] =	vst.add.f32.msk $0xffff, v4  }
0x1b5: {  	_ =	sdelay $0x3  }
0x1b6: {  	v4 =	vld.idx.msk [tilespmem:v3+s10+$0xFFFFFFC0 ss:$0x1], $0xffff;
	_ =	sdelay $0x3  }
0x1b7: {  	s11 =	sadd.s32 s10, s11  }
0x1b8: {  	[tilespmem:s11+$0x0] =	vst.add.f32.msk $0xffff, v4  }
0x1b9: {  	v4 =	vld.idx.msk [tilespmem:v3+s10+$0xFFFFFFD0 ss:$0x1], $0xffff;
	_ =	sdelay $0x4  }
0x1ba: {  	[tilespmem:s11+$0x10] =	vst.add.f32.msk $0xffff, v4  }
0x1bb: {  	v4 =	vld.idx.msk [tilespmem:v3+s10+$0xFFFFFFE0 ss:$0x1], $0xffff;
	_ =	sdelay $0x4  }
0x1bc: {  	[tilespmem:s11+$0x20] =	vst.add.f32.msk $0xffff, v4  }
0x1bd: {  	v4 =	vld.idx.msk [tilespmem:v3+s10+$0xFFFFFFF0 ss:$0x1], $0xffff;
	_ =	sdelay $0x4  }
0x1be: {  	[tilespmem:s11+$0x30] =	vst.add.f32.msk $0xffff, v4  }
0x1bf: {  	v4 =	vld.idx.msk [tilespmem:v3+s10+$0x0 ss:$0x1], $0xffff;
	_ =	sdelay $0x4  }
0x1c0: {  	[tilespmem:s11+$0x40] =	vst.add.f32.msk $0xffff, v4  }
0x1c1: {  	v4 =	vld.idx.msk [tilespmem:v3+s10+$0x10 ss:$0x1], $0xffff;
	_ =	sdelay $0x4  }
0x1c2: {  	[tilespmem:s11+$0x50] =	vst.add.f32.msk $0xffff, v4  }
0x1c3: {  	v4 =	vld.idx.msk [tilespmem:v3+s10+$0x20 ss:$0x1], $0xffff;
	_ =	sdelay $0x4  }
0x1c4: {  	s9 =	sadd.s32 $0x1, s9;
	[tilespmem:s11+$0x60] =	vst.add.f32.msk $0xffff, v4  }
0x1c5: {  	p0 =	sne.s32 s9, $0x10;
	v3 =	vld.idx.msk [tilespmem:v3+s10+$0x30 ss:$0x1], $0xffff  }
.Ltmp7:
0x1c6: {  	_ = 	snop;
	(pc) =	sbr.rel @p0 .LBB2_14-.Ltmp7, $2  }
0x1c7: {  	_ =	sdelay $0x2  }
0x1c8: {  	s7 =	sadd.s32 $0x1, s7;
	[tilespmem:s11+$0x70] =	vst.add.f32.msk $0xffff, v3  }
0x1c9: {  	s7 =	rddreg [dreg:$0xe]  }
0x1ca: {  	[hbm4b:s7+s1] =	stream.linear.scatter [tilespmem:s8], [sflag:$0x7], $0x4000, $0x38;
	[tilespmem:$0x10400] =	vst v63  }
0x1cb: {  	_ =	swait.ge [sflag:s25], $0x4000  }
0x1cc: {  	[sflag:s25] =	ssyncset.done $0x0  }
0x1cd: {  	[sflag:s25] =	ssyncadd.s32 $0xFFFFC000  }
0x1ce: {  	_ =	swait.ge [sflag:s5], $0x4000  }
0x1cf: {  	s6 =	sadd.s32 $0x1, s6;
	s16 =	rddreg [dreg:$0xf]  }
0x1d0: {  	p0 =	sne.s32 s6, s16  }
.Ltmp8:
0x1d1: {  	_ = 	snop;
	(pc) =	sbr.rel @p0 .LBB2_1-.Ltmp8, $3  }
0x1d2: {  	_ =	sdelay $0x1  }
0x1d3: {  	[sflag:s5] =	ssyncset.done $0x0  }
0x1d4: {  	[sflag:s5] =	ssyncadd.s32 $0xFFFFC000  }
0x1d5: {  	_ =	sfence.sel $0x180000  }
0x1d6: {  	[bflag:$0x0] =	sbarrier.arrive $0xFFFF  }
0x1d7: {  	_ =	strace $0x9000004A  }
0x1d8: {  	s0 =	stileid.u32;
	[bflag:$0x2] =	sbarrier.arrive $0xFFFF  }
0x1d9: {  	p0 =	sne.s32 s0, $0x0;
	s0 =	rddreg [dreg:$0x2]  }
0x1da: {  	s0 =	sadd.s32 @!p0 $0x100000, s0  }
0x1db: {  	[sflag:s0] =	ssyncadd.tile.s32 @!p0 $0x1;
	_ =	shalt  }
.Lfunc_end2:
_tile_overlayer_lowered:
.L_overlay_start_2:
0x1dc: {  	(tag) =	ssettag $0x2  }
0x1dd: {  	s0 =	rddreg [dreg:$0x0];
	s2 =	stileid.u32  }
0x1de: {  	s1 =	rddreg [dreg:$0x1];
	p0 =	sne.s32 s2, $0x0  }
0x1df: {  	s3 =	rddreg [dreg:$0x2];
	[bflag:$0x3] =	sbarrier.arrive $0xFFFF;
	s2 =	simm.s32 @!p0 $0x1C08  }
0x1e0: {  	[timem:s3], [sflag:s2] =	dma.local @!p0 [hbm:s0], s1  }
0x1e1: {  	s0 =	simm.s32 @!p0 $0x8  }
0x1e2: {  	_ =	swait.ge @!p0 [sflag:s0], s1  }
0x1e3: {  	s1 =	ssub.s32 @!p0 $0x0, s1;
	[sflag:s0] =	ssyncset.done @!p0 $0x0  }
0x1e4: {  	[sflag:s0] =	ssyncadd.s32 @!p0 s1  }
0x1e5: {  	[bflag:$0x3] =	sbarrier.arrive $0xFFFF  }
0x1e6: {  	_ =	shalt  }

</sc_bundles>
